<compile_context>
chip_gen: v7x
topology: tpu7x:2x2x1
jax: 0.10.2.dev20260603
libtpu: 0.0.44.dev20260713+nightly
codegen_flags: <defaults>
</compile_context>

<pallas_src>
import functools

import jax
import jax.numpy as jnp
from jax import lax
from jax.experimental import pallas as pl
from jax.experimental.pallas import tpu as pltpu
from jax.experimental.pallas import tpu_sc as plsc

E = 1600000
N_SEG = 50000
NW = 32
CHUNK = E // NW
BLK = 2000
NBLK = CHUNK // BLK
VPB = BLK // 16
NSEGP = 53248

ROWS = E // 128
BR = 32
GRID = (ROWS + BR - 1) // BR
PROWS = NSEGP // 128
HEAD_BLOCKS_LAST = PROWS // BR - 1

_NEG_INF = float("-inf")


_GDN = lax.GatherDimensionNumbers(
    offset_dims=(), collapsed_slice_dims=(0,), start_index_map=(0,))


def _lane_take(x, idx):
    return lax.gather(x, idx.reshape(16, 1), _GDN, (1,),
                      mode=lax.GatherScatterMode.PROMISE_IN_BOUNDS)


def _sc_body(src_hbm, idx_hbm, pv_hbm, pa_hbm, srcbuf, idxbuf, tabv, taba):
    wid = lax.axis_index("s") * 2 + lax.axis_index("c")
    base = wid * CHUNK
    lane = jnp.arange(16, dtype=jnp.int32)

    def init(i, c):
        i = i.astype(jnp.int32)
        tabv[pl.ds(i * 16, 16)] = jnp.full((16,), _NEG_INF, jnp.float32)
        taba[pl.ds(i * 16, 16)] = jnp.full((16,), E, jnp.int32)
        return c

    lax.fori_loop(jnp.int32(0), jnp.int32(NSEGP // 16), init, jnp.int32(0))

    def do_vreg(v, blk_base):
        v = v.astype(jnp.int32)
        s = srcbuf[pl.ds(v * 16, 16)]
        ix = idxbuf[pl.ds(v * 16, 16)]
        pos = blk_base + v * 16 + lane
        val, arg = s, pos
        for d in (1, 2, 4, 8):
            shi = jnp.maximum(lane - d, 0)
            sv = _lane_take(val, shi)
            sa = _lane_take(arg, shi)
            si = _lane_take(ix, shi)
            same = (si == ix) & (lane >= d)
            take = same & (sv >= val)
            val = jnp.where(same, jnp.maximum(val, sv), val)
            arg = jnp.where(take, sa, arg)
        tv = plsc.load_gather(tabv, [ix])
        ta = plsc.load_gather(taba, [ix])
        newer = val > tv
        out_v = jnp.maximum(val, tv)
        out_a = jnp.where(newer, arg, ta)
        nxt = _lane_take(ix, jnp.minimum(lane + 1, 15))
        is_last = (nxt != ix) | (lane == 15)
        plsc.store_scatter(tabv, [ix], out_v, mask=is_last)
        plsc.store_scatter(taba, [ix], out_a, mask=is_last)
        return blk_base

    def do_block(b, c):
        b = b.astype(jnp.int32)
        blk_base = base + b * BLK
        pltpu.sync_copy(src_hbm.at[pl.ds(blk_base, BLK)], srcbuf)
        pltpu.sync_copy(idx_hbm.at[pl.ds(blk_base, BLK)], idxbuf)
        lax.fori_loop(jnp.int32(0), jnp.int32(VPB), do_vreg, blk_base)
        return c

    lax.fori_loop(jnp.int32(0), jnp.int32(NBLK), do_block, jnp.int32(0))
    pltpu.sync_copy(tabv, pv_hbm.at[wid])
    pltpu.sync_copy(taba, pa_hbm.at[wid])


_phase_a = functools.partial(
    pl.kernel,
    out_type=[
        jax.ShapeDtypeStruct((NW, NSEGP), jnp.float32),
        jax.ShapeDtypeStruct((NW, NSEGP), jnp.int32),
    ],
    mesh=plsc.VectorSubcoreMesh(core_axis_name="c", subcore_axis_name="s"),
    compiler_params=pltpu.CompilerParams(needs_layout_passes=False),
    scratch_types=[
        pltpu.VMEM((BLK,), jnp.float32),
        pltpu.VMEM((BLK,), jnp.int32),
        pltpu.VMEM((NSEGP,), jnp.float32),
        pltpu.VMEM((NSEGP,), jnp.int32),
    ],
)(_sc_body)


def _tc_body(src_ref, pv_ref, pa_ref, out_ref, am_ref):
    g = pl.program_id(0)
    s = src_ref[...]
    mv = pv_ref[0]
    ma = pa_ref[0]
    for w in range(1, NW):
        v = pv_ref[w]
        take = v > mv
        mv = jnp.where(take, v, mv)
        ma = jnp.where(take, pa_ref[w], ma)
    row = lax.broadcasted_iota(jnp.int32, (BR, 128), 0)
    col = lax.broadcasted_iota(jnp.int32, (BR, 128), 1)
    p = (g * BR + row) * 128 + col
    head = p < N_SEG
    out_ref[...] = jnp.where(head, jnp.maximum(s, mv), s)
    am_ref[...] = jnp.where(head & (mv >= s), ma, jnp.int32(E))


_phase_b = pl.pallas_call(
    _tc_body,
    grid=(GRID,),
    in_specs=[
        pl.BlockSpec((BR, 128), lambda g: (g, jnp.int32(0))),
        pl.BlockSpec((NW, BR, 128), lambda g: (jnp.int32(0), jnp.minimum(g, HEAD_BLOCKS_LAST), jnp.int32(0))),
        pl.BlockSpec((NW, BR, 128), lambda g: (jnp.int32(0), jnp.minimum(g, HEAD_BLOCKS_LAST), jnp.int32(0))),
    ],
    out_specs=[
        pl.BlockSpec((BR, 128), lambda g: (g, jnp.int32(0))),
        pl.BlockSpec((BR, 128), lambda g: (g, jnp.int32(0))),
    ],
    out_shape=[
        jax.ShapeDtypeStruct((ROWS, 128), jnp.float32),
        jax.ShapeDtypeStruct((ROWS, 128), jnp.int32),
    ],
)


def kernel(src, index):
    idx32 = index.astype(jnp.int32)
    pv, pa = _phase_a(src, idx32)
    out2, am2 = _phase_b(
        src.reshape(ROWS, 128),
        pv.reshape(NW, PROWS, 128),
        pa.reshape(NW, PROWS, 128),
    )
    return out2.reshape(E), am2.reshape(E).astype(index.dtype)

# --- scband reference (transcript-rebuilt; emitter-appended) ---
"""Pipeline reference for scband-scatter-max-21655225106996 (READ-ONLY COPY).

The authoritative reference and input builder live on the scoring server;
editing this copy changes nothing except your own understanding.
"""

import jax, jax.numpy as jnp
import numpy as np
jax.config.update("jax_enable_x64", True)

E = 1600000
N_SEG = 50000

def setup_inputs(seed: int = 0) -> dict:
    key = jax.random.key(seed)
    k1, k2 = jax.random.split(key)
    src = jax.random.normal(k1, (E,), dtype=jnp.float32)
    index = jnp.sort(jax.random.randint(k2, (E,), 0, N_SEG, dtype=jnp.int64))
    return {"src": src, "index": index}

def reference(src, index):
    # torch_scatter.scatter_max(src, index, dim=-1, out=src):
    # out is pre-initialized with src itself, then for each i:
    #   out[index[i]] = max(out[index[i]], src[i])
    n = src.shape[0]
    out = src.at[index].max(src)
    # argmax: source position i whose src[i] achieved the max at out[index[i]];
    # sentinel = src.size(dim) = n for positions whose original value was never exceeded
    winners = jnp.where(src >= out[index], jnp.arange(n, dtype=index.dtype), jnp.asarray(n, dtype=index.dtype))
    argmax = jnp.full((n,), n, dtype=index.dtype).at[index].min(winners)
    return (out, argmax)

if __name__ == "__main__":
    import jax
    _d = setup_inputs()
    print(jax.jit(kernel)(*tuple(_d.values())))

</pallas_src>

<mosaic_0001>
#map = affine_map<(d0, d1) -> (0)>
#map1 = affine_map<(d0, d1) -> (0, 0)>
module attributes {stable_mosaic.version = 14 : i64} {
  func.func @_sc_body(%arg0: i32, %arg1: i32, %arg2: memref<1600000xf32, #tpu.memory_space<hbm>>, %arg3: memref<1600000xi32, #tpu.memory_space<hbm>>, %arg4: memref<32x53248xf32, #tpu.memory_space<hbm>>, %arg5: memref<32x53248xi32, #tpu.memory_space<hbm>>, %arg6: memref<2000xf32, #tpu.memory_space<vmem>>, %arg7: memref<2000xi32, #tpu.memory_space<vmem>>, %arg8: memref<53248xf32, #tpu.memory_space<vmem>>, %arg9: memref<53248xi32, #tpu.memory_space<vmem>>) attributes {dimension_semantics = [#tpu.dimension_semantics<core_parallel>, #tpu.dimension_semantics<subcore_parallel>], iteration_bounds = array<i64: 2, 16>, scalar_prefetch = 0 : i64, scratch_operands = 4 : i64, tpu.core_type = #tpu.core_type<sc_vector_subcore>, window_params = [{transform_indices = #map}, {transform_indices = #map}, {transform_indices = #map1}, {transform_indices = #map1}]} {
    %mul3A = arith.constant 2 : i32
    %mul3A_0 = arith.muli %arg1, %mul3A : i32
    %add3A = arith.addi %mul3A_0, %arg0 : i32
    %mul3A_1 = arith.constant 50000 : i32
    %mul3A_2 = arith.muli %add3A, %mul3A_1 : i32
    %iota3A = tpu.iota {dimensions = array<i32: 0>} : vector<16xi32>
    %while3A = arith.constant 0 : i32
    %while3A_3 = arith.constant 0 : i32
    %while3A_4 = arith.constant 3328 : i32
    %while3A_5 = arith.subi %while3A_4, %while3A_3 : i32
    %while3A_6 = arith.addi %while3A_3, %while3A_5 : i32
    %while3A_7 = arith.constant 1 : i32
    %while3A_8 = arith.divsi %while3A_5, %while3A_7 : i32
    %while3A_9 = arith.muli %while3A_8, %while3A_7 : i32
    %while3A_10 = arith.addi %while3A_3, %while3A_9 : i32
    %while3A_11 = arith.constant 1 : i32
    scf.for %while3A_24 = %while3A_3 to %while3A_10 step %while3A_11  : i32 {
      %broadcast_in_dim3A = arith.constant 0xFF800000 : f32
      %broadcast_in_dim3A_25 = vector.broadcast %broadcast_in_dim3A : f32 to vector<16xf32>
      %mul3A_26 = arith.constant 16 : i32
      %mul3A_27 = arith.muli %while3A_24, %mul3A_26 : i32
      %swap3A = arith.index_cast %mul3A_27 : i32 to index
      %swap3A_28 = tpu.vector_load %arg8[%swap3A] {strides = array<i32>} : memref<53248xf32, #tpu.memory_space<vmem>>, vector<16xf32>,
      tpu.vector_store %arg8[%swap3A], %broadcast_in_dim3A_25 {strides = array<i32>} : memref<53248xf32, #tpu.memory_space<vmem>>, vector<16xf32>,
      %broadcast_in_dim3A_29 = arith.constant 1600000 : i32
      %broadcast_in_dim3A_30 = vector.broadcast %broadcast_in_dim3A_29 : i32 to vector<16xi32>
      %mul3A_31 = arith.constant 16 : i32
      %mul3A_32 = arith.muli %while3A_24, %mul3A_31 : i32
      %swap3A_33 = arith.index_cast %mul3A_32 : i32 to index
      %swap3A_34 = tpu.vector_load %arg9[%swap3A_33] {strides = array<i32>} : memref<53248xi32, #tpu.memory_space<vmem>>, vector<16xi32>,
      tpu.vector_store %arg9[%swap3A_33], %broadcast_in_dim3A_30 {strides = array<i32>} : memref<53248xi32, #tpu.memory_space<vmem>>, vector<16xi32>,
    }
    %while3A_12 = arith.constant 1 : i32
    scf.for %while3A_24 = %while3A_10 to %while3A_6 step %while3A_12  : i32 {
      %broadcast_in_dim3A = arith.constant 0xFF800000 : f32
      %broadcast_in_dim3A_25 = vector.broadcast %broadcast_in_dim3A : f32 to vector<16xf32>
      %mul3A_26 = arith.constant 16 : i32
      %mul3A_27 = arith.muli %while3A_24, %mul3A_26 : i32
      %swap3A = arith.index_cast %mul3A_27 : i32 to index
      %swap3A_28 = tpu.vector_load %arg8[%swap3A] {strides = array<i32>} : memref<53248xf32, #tpu.memory_space<vmem>>, vector<16xf32>,
      tpu.vector_store %arg8[%swap3A], %broadcast_in_dim3A_25 {strides = array<i32>} : memref<53248xf32, #tpu.memory_space<vmem>>, vector<16xf32>,
      %broadcast_in_dim3A_29 = arith.constant 1600000 : i32
      %broadcast_in_dim3A_30 = vector.broadcast %broadcast_in_dim3A_29 : i32 to vector<16xi32>
      %mul3A_31 = arith.constant 16 : i32
      %mul3A_32 = arith.muli %while3A_24, %mul3A_31 : i32
      %swap3A_33 = arith.index_cast %mul3A_32 : i32 to index
      %swap3A_34 = tpu.vector_load %arg9[%swap3A_33] {strides = array<i32>} : memref<53248xi32, #tpu.memory_space<vmem>>, vector<16xi32>,
      tpu.vector_store %arg9[%swap3A_33], %broadcast_in_dim3A_30 {strides = array<i32>} : memref<53248xi32, #tpu.memory_space<vmem>>, vector<16xi32>,
    }
    %while3A_13 = arith.constant 0 : i32
    %while3A_14 = arith.constant 0 : i32
    %while3A_15 = arith.constant 25 : i32
    %while3A_16 = arith.subi %while3A_15, %while3A_14 : i32
    %while3A_17 = arith.addi %while3A_14, %while3A_16 : i32
    %while3A_18 = arith.constant 1 : i32
    %while3A_19 = arith.divsi %while3A_16, %while3A_18 : i32
    %while3A_20 = arith.muli %while3A_19, %while3A_18 : i32
    %while3A_21 = arith.addi %while3A_14, %while3A_20 : i32
    %while3A_22 = arith.constant 1 : i32
    scf.for %while3A_24 = %while3A_14 to %while3A_21 step %while3A_22  : i32 {
      %mul3A_25 = arith.constant 2000 : i32
      %mul3A_26 = arith.muli %while3A_24, %mul3A_25 : i32
      %add3A_27 = arith.addi %mul3A_2, %mul3A_26 : i32
      "tpu.region"() ({
        %run_scoped3A = tpu.sem_alloc : memref<!tpu.dma_semaphore, #tpu.memory_space<semaphore_mem>>
        %dma_start3A = tpu.memref_slice %arg2[%add3A_27] : memref<1600000xf32, #tpu.memory_space<hbm>> -> memref<2000xf32, #tpu.memory_space<hbm>>
        %dma_start3A_38 = tpu.memref_slice %arg2[%add3A_27] : memref<1600000xf32, #tpu.memory_space<hbm>> -> memref<2000xf32, #tpu.memory_space<hbm>>
        tpu.enqueue_dma source(%dma_start3A_38 : memref<2000xf32, #tpu.memory_space<hbm>>) target(%arg6 : memref<2000xf32, #tpu.memory_space<vmem>>) target_semaphore(%run_scoped3A : memref<!tpu.dma_semaphore, #tpu.memory_space<semaphore_mem>>)
        %dma_wait3A = tpu.memref_slice %arg2[%add3A_27] : memref<1600000xf32, #tpu.memory_space<hbm>> -> memref<2000xf32, #tpu.memory_space<hbm>>
        %dma_wait3A_39 = tpu.memref_slice %arg2[%add3A_27] : memref<1600000xf32, #tpu.memory_space<hbm>> -> memref<2000xf32, #tpu.memory_space<hbm>>
        tpu.wait_dma2 semaphore(%run_scoped3A : memref<!tpu.dma_semaphore, #tpu.memory_space<semaphore_mem>>) src(%dma_wait3A_39 : memref<2000xf32, #tpu.memory_space<hbm>>) dst(%arg6 : memref<2000xf32, #tpu.memory_space<vmem>>)
        tpu.yield
      }) : () -> ()
      "tpu.region"() ({
        %run_scoped3A = tpu.sem_alloc : memref<!tpu.dma_semaphore, #tpu.memory_space<semaphore_mem>>
        %dma_start3A = tpu.memref_slice %arg3[%add3A_27] : memref<1600000xi32, #tpu.memory_space<hbm>> -> memref<2000xi32, #tpu.memory_space<hbm>>
        %dma_start3A_38 = tpu.memref_slice %arg3[%add3A_27] : memref<1600000xi32, #tpu.memory_space<hbm>> -> memref<2000xi32, #tpu.memory_space<hbm>>
        tpu.enqueue_dma source(%dma_start3A_38 : memref<2000xi32, #tpu.memory_space<hbm>>) target(%arg7 : memref<2000xi32, #tpu.memory_space<vmem>>) target_semaphore(%run_scoped3A : memref<!tpu.dma_semaphore, #tpu.memory_space<semaphore_mem>>)
        %dma_wait3A = tpu.memref_slice %arg3[%add3A_27] : memref<1600000xi32, #tpu.memory_space<hbm>> -> memref<2000xi32, #tpu.memory_space<hbm>>
        %dma_wait3A_39 = tpu.memref_slice %arg3[%add3A_27] : memref<1600000xi32, #tpu.memory_space<hbm>> -> memref<2000xi32, #tpu.memory_space<hbm>>
        tpu.wait_dma2 semaphore(%run_scoped3A : memref<!tpu.dma_semaphore, #tpu.memory_space<semaphore_mem>>) src(%dma_wait3A_39 : memref<2000xi32, #tpu.memory_space<hbm>>) dst(%arg7 : memref<2000xi32, #tpu.memory_space<vmem>>)
        tpu.yield
      }) : () -> ()
      %while3A_28 = arith.constant 0 : i32
      %while3A_29 = arith.constant 125 : i32
      %while3A_30 = arith.subi %while3A_29, %while3A_28 : i32
      %while3A_31 = arith.addi %while3A_28, %while3A_30 : i32
      %while3A_32 = arith.constant 1 : i32
      %while3A_33 = arith.divsi %while3A_30, %while3A_32 : i32
      %while3A_34 = arith.muli %while3A_33, %while3A_32 : i32
      %while3A_35 = arith.addi %while3A_28, %while3A_34 : i32
      %while3A_36 = arith.constant 1 : i32
      scf.for %while3A_38 = %while3A_28 to %while3A_35 step %while3A_36  : i32 {
        %mul3A_39 = arith.constant 16 : i32
        %mul3A_40 = arith.muli %while3A_38, %mul3A_39 : i32
        %get3A = arith.index_cast %mul3A_40 : i32 to index
        %get3A_41 = tpu.vector_load %arg6[%get3A] {strides = array<i32>} : memref<2000xf32, #tpu.memory_space<vmem>>, vector<16xf32>,
        %mul3A_42 = arith.constant 16 : i32
        %mul3A_43 = arith.muli %while3A_38, %mul3A_42 : i32
        %get3A_44 = arith.index_cast %mul3A_43 : i32 to index
        %get3A_45 = tpu.vector_load %arg7[%get3A_44] {strides = array<i32>} : memref<2000xi32, #tpu.memory_space<vmem>>, vector<16xi32>,
        %mul3A_46 = arith.constant 16 : i32
        %mul3A_47 = arith.muli %while3A_38, %mul3A_46 : i32
        %add3A_48 = arith.addi %add3A_27, %mul3A_47 : i32
        %add3A_49 = vector.broadcast %add3A_48 : i32 to vector<16xi32>
        %add3A_50 = arith.addi %add3A_49, %iota3A : vector<16xi32>
        %sub3A = arith.constant 1 : i32
        %sub3A_51 = vector.broadcast %sub3A : i32 to vector<16xi32>
        %sub3A_52 = arith.subi %iota3A, %sub3A_51 : vector<16xi32>
        %max3A = arith.constant 0 : i32
        %max3A_53 = vector.broadcast %max3A : i32 to vector<16xi32>
        %max3A_54 = arith.maxsi %sub3A_52, %max3A_53 : vector<16xi32>
        %reshape3A = vector.shape_cast %max3A_54 : vector<16xi32> to vector<16x1xi32>
        %gather3A = vector.shape_cast %reshape3A : vector<16x1xi32> to vector<16xi32>
        %gather3A_55 = tpu.dynamic_gather %get3A_41[%gather3A] in [0] : vector<16xf32>, vector<16xi32> -> vector<16xf32>
        %reshape3A_56 = vector.shape_cast %max3A_54 : vector<16xi32> to vector<16x1xi32>
        %gather3A_57 = vector.shape_cast %reshape3A_56 : vector<16x1xi32> to vector<16xi32>
        %gather3A_58 = tpu.dynamic_gather %add3A_50[%gather3A_57] in [0] : vector<16xi32>, vector<16xi32> -> vector<16xi32>
        %reshape3A_59 = vector.shape_cast %max3A_54 : vector<16xi32> to vector<16x1xi32>
        %gather3A_60 = vector.shape_cast %reshape3A_59 : vector<16x1xi32> to vector<16xi32>
        %gather3A_61 = tpu.dynamic_gather %get3A_45[%gather3A_60] in [0] : vector<16xi32>, vector<16xi32> -> vector<16xi32>
        %eq3A = arith.cmpi eq, %gather3A_61, %get3A_45 : vector<16xi32>
        %ge3A = arith.constant 1 : i32
        %ge3A_62 = vector.broadcast %ge3A : i32 to vector<16xi32>
        %ge3A_63 = arith.cmpi sge, %iota3A, %ge3A_62 : vector<16xi32>
        %and3A = arith.andi %eq3A, %ge3A_63 : vector<16xi1>
        %ge3A_64 = arith.cmpf oge, %gather3A_55, %get3A_41 : vector<16xf32>
        %and3A_65 = arith.andi %and3A, %ge3A_64 : vector<16xi1>
        %max3A_66 = arith.maximumf %get3A_41, %gather3A_55 : vector<16xf32>
        %select_n3A = arith.select %and3A, %max3A_66, %get3A_41 : vector<16xi1>, vector<16xf32>
        %select_n3A_67 = arith.select %and3A_65, %gather3A_58, %add3A_50 : vector<16xi1>, vector<16xi32>
        %sub3A_68 = arith.constant 2 : i32
        %sub3A_69 = vector.broadcast %sub3A_68 : i32 to vector<16xi32>
        %sub3A_70 = arith.subi %iota3A, %sub3A_69 : vector<16xi32>
        %max3A_71 = arith.constant 0 : i32
        %max3A_72 = vector.broadcast %max3A_71 : i32 to vector<16xi32>
        %max3A_73 = arith.maxsi %sub3A_70, %max3A_72 : vector<16xi32>
        %reshape3A_74 = vector.shape_cast %max3A_73 : vector<16xi32> to vector<16x1xi32>
        %gather3A_75 = vector.shape_cast %reshape3A_74 : vector<16x1xi32> to vector<16xi32>
        %gather3A_76 = tpu.dynamic_gather %select_n3A[%gather3A_75] in [0] : vector<16xf32>, vector<16xi32> -> vector<16xf32>
        %reshape3A_77 = vector.shape_cast %max3A_73 : vector<16xi32> to vector<16x1xi32>
        %gather3A_78 = vector.shape_cast %reshape3A_77 : vector<16x1xi32> to vector<16xi32>
        %gather3A_79 = tpu.dynamic_gather %select_n3A_67[%gather3A_78] in [0] : vector<16xi32>, vector<16xi32> -> vector<16xi32>
        %reshape3A_80 = vector.shape_cast %max3A_73 : vector<16xi32> to vector<16x1xi32>
        %gather3A_81 = vector.shape_cast %reshape3A_80 : vector<16x1xi32> to vector<16xi32>
        %gather3A_82 = tpu.dynamic_gather %get3A_45[%gather3A_81] in [0] : vector<16xi32>, vector<16xi32> -> vector<16xi32>
        %eq3A_83 = arith.cmpi eq, %gather3A_82, %get3A_45 : vector<16xi32>
        %ge3A_84 = arith.constant 2 : i32
        %ge3A_85 = vector.broadcast %ge3A_84 : i32 to vector<16xi32>
        %ge3A_86 = arith.cmpi sge, %iota3A, %ge3A_85 : vector<16xi32>
        %and3A_87 = arith.andi %eq3A_83, %ge3A_86 : vector<16xi1>
        %ge3A_88 = arith.cmpf oge, %gather3A_76, %select_n3A : vector<16xf32>
        %and3A_89 = arith.andi %and3A_87, %ge3A_88 : vector<16xi1>
        %max3A_90 = arith.maximumf %select_n3A, %gather3A_76 : vector<16xf32>
        %select_n3A_91 = arith.select %and3A_87, %max3A_90, %select_n3A : vector<16xi1>, vector<16xf32>
        %select_n3A_92 = arith.select %and3A_89, %gather3A_79, %select_n3A_67 : vector<16xi1>, vector<16xi32>
        %sub3A_93 = arith.constant 4 : i32
        %sub3A_94 = vector.broadcast %sub3A_93 : i32 to vector<16xi32>
        %sub3A_95 = arith.subi %iota3A, %sub3A_94 : vector<16xi32>
        %max3A_96 = arith.constant 0 : i32
        %max3A_97 = vector.broadcast %max3A_96 : i32 to vector<16xi32>
        %max3A_98 = arith.maxsi %sub3A_95, %max3A_97 : vector<16xi32>
        %reshape3A_99 = vector.shape_cast %max3A_98 : vector<16xi32> to vector<16x1xi32>
        %gather3A_100 = vector.shape_cast %reshape3A_99 : vector<16x1xi32> to vector<16xi32>
        %gather3A_101 = tpu.dynamic_gather %select_n3A_91[%gather3A_100] in [0] : vector<16xf32>, vector<16xi32> -> vector<16xf32>
        %reshape3A_102 = vector.shape_cast %max3A_98 : vector<16xi32> to vector<16x1xi32>
        %gather3A_103 = vector.shape_cast %reshape3A_102 : vector<16x1xi32> to vector<16xi32>
        %gather3A_104 = tpu.dynamic_gather %select_n3A_92[%gather3A_103] in [0] : vector<16xi32>, vector<16xi32> -> vector<16xi32>
        %reshape3A_105 = vector.shape_cast %max3A_98 : vector<16xi32> to vector<16x1xi32>
        %gather3A_106 = vector.shape_cast %reshape3A_105 : vector<16x1xi32> to vector<16xi32>
        %gather3A_107 = tpu.dynamic_gather %get3A_45[%gather3A_106] in [0] : vector<16xi32>, vector<16xi32> -> vector<16xi32>
        %eq3A_108 = arith.cmpi eq, %gather3A_107, %get3A_45 : vector<16xi32>
        %ge3A_109 = arith.constant 4 : i32
        %ge3A_110 = vector.broadcast %ge3A_109 : i32 to vector<16xi32>
        %ge3A_111 = arith.cmpi sge, %iota3A, %ge3A_110 : vector<16xi32>
        %and3A_112 = arith.andi %eq3A_108, %ge3A_111 : vector<16xi1>
        %ge3A_113 = arith.cmpf oge, %gather3A_101, %select_n3A_91 : vector<16xf32>
        %and3A_114 = arith.andi %and3A_112, %ge3A_113 : vector<16xi1>
        %max3A_115 = arith.maximumf %select_n3A_91, %gather3A_101 : vector<16xf32>
        %select_n3A_116 = arith.select %and3A_112, %max3A_115, %select_n3A_91 : vector<16xi1>, vector<16xf32>
        %select_n3A_117 = arith.select %and3A_114, %gather3A_104, %select_n3A_92 : vector<16xi1>, vector<16xi32>
        %sub3A_118 = arith.constant 8 : i32
        %sub3A_119 = vector.broadcast %sub3A_118 : i32 to vector<16xi32>
        %sub3A_120 = arith.subi %iota3A, %sub3A_119 : vector<16xi32>
        %max3A_121 = arith.constant 0 : i32
        %max3A_122 = vector.broadcast %max3A_121 : i32 to vector<16xi32>
        %max3A_123 = arith.maxsi %sub3A_120, %max3A_122 : vector<16xi32>
        %reshape3A_124 = vector.shape_cast %max3A_123 : vector<16xi32> to vector<16x1xi32>
        %gather3A_125 = vector.shape_cast %reshape3A_124 : vector<16x1xi32> to vector<16xi32>
        %gather3A_126 = tpu.dynamic_gather %select_n3A_116[%gather3A_125] in [0] : vector<16xf32>, vector<16xi32> -> vector<16xf32>
        %reshape3A_127 = vector.shape_cast %max3A_123 : vector<16xi32> to vector<16x1xi32>
        %gather3A_128 = vector.shape_cast %reshape3A_127 : vector<16x1xi32> to vector<16xi32>
        %gather3A_129 = tpu.dynamic_gather %select_n3A_117[%gather3A_128] in [0] : vector<16xi32>, vector<16xi32> -> vector<16xi32>
        %reshape3A_130 = vector.shape_cast %max3A_123 : vector<16xi32> to vector<16x1xi32>
        %gather3A_131 = vector.shape_cast %reshape3A_130 : vector<16x1xi32> to vector<16xi32>
        %gather3A_132 = tpu.dynamic_gather %get3A_45[%gather3A_131] in [0] : vector<16xi32>, vector<16xi32> -> vector<16xi32>
        %eq3A_133 = arith.cmpi eq, %gather3A_132, %get3A_45 : vector<16xi32>
        %ge3A_134 = arith.constant 8 : i32
        %ge3A_135 = vector.broadcast %ge3A_134 : i32 to vector<16xi32>
        %ge3A_136 = arith.cmpi sge, %iota3A, %ge3A_135 : vector<16xi32>
        %and3A_137 = arith.andi %eq3A_133, %ge3A_136 : vector<16xi1>
        %ge3A_138 = arith.cmpf oge, %gather3A_126, %select_n3A_116 : vector<16xf32>
        %and3A_139 = arith.andi %and3A_137, %ge3A_138 : vector<16xi1>
        %max3A_140 = arith.maximumf %select_n3A_116, %gather3A_126 : vector<16xf32>
        %select_n3A_141 = arith.select %and3A_137, %max3A_140, %select_n3A_116 : vector<16xi1>, vector<16xf32>
        %select_n3A_142 = arith.select %and3A_139, %gather3A_129, %select_n3A_117 : vector<16xi1>, vector<16xi32>
        %gather3A_143 = tpu.vector_load_idx %arg8[%get3A_45] : memref<53248xf32, #tpu.memory_space<vmem>>[vector<16xi32>], vector<16xf32>,
        %gather3A_144 = tpu.vector_load_idx %arg9[%get3A_45] : memref<53248xi32, #tpu.memory_space<vmem>>[vector<16xi32>], vector<16xi32>,
        %gt3A = arith.cmpf ogt, %select_n3A_141, %gather3A_143 : vector<16xf32>
        %max3A_145 = arith.maximumf %select_n3A_141, %gather3A_143 : vector<16xf32>
        %select_n3A_146 = arith.select %gt3A, %select_n3A_142, %gather3A_144 : vector<16xi1>, vector<16xi32>
        %add3A_147 = arith.constant 1 : i32
        %add3A_148 = vector.broadcast %add3A_147 : i32 to vector<16xi32>
        %add3A_149 = arith.addi %iota3A, %add3A_148 : vector<16xi32>
        %min3A = arith.constant 15 : i32
        %min3A_150 = vector.broadcast %min3A : i32 to vector<16xi32>
        %min3A_151 = arith.minsi %add3A_149, %min3A_150 : vector<16xi32>
        %reshape3A_152 = vector.shape_cast %min3A_151 : vector<16xi32> to vector<16x1xi32>
        %gather3A_153 = vector.shape_cast %reshape3A_152 : vector<16x1xi32> to vector<16xi32>
        %gather3A_154 = tpu.dynamic_gather %get3A_45[%gather3A_153] in [0] : vector<16xi32>, vector<16xi32> -> vector<16xi32>
        %ne3A = arith.cmpi ne, %gather3A_154, %get3A_45 : vector<16xi32>
        %eq3A_155 = arith.constant 15 : i32
        %eq3A_156 = vector.broadcast %eq3A_155 : i32 to vector<16xi32>
        %eq3A_157 = arith.cmpi eq, %iota3A, %eq3A_156 : vector<16xi32>
        %or3A = arith.ori %ne3A, %eq3A_157 : vector<16xi1>
        tpu.vector_store_idx %arg8[%get3A_45], %max3A_145 masked %or3A : memref<53248xf32, #tpu.memory_space<vmem>>[vector<16xi32>], vector<16xf32>, vector<16xi1>
        tpu.vector_store_idx %arg9[%get3A_45], %select_n3A_146 masked %or3A : memref<53248xi32, #tpu.memory_space<vmem>>[vector<16xi32>], vector<16xi32>, vector<16xi1>
      }
      %while3A_37 = arith.constant 1 : i32
      scf.for %while3A_38 = %while3A_35 to %while3A_31 step %while3A_37  : i32 {
        %mul3A_39 = arith.constant 16 : i32
        %mul3A_40 = arith.muli %while3A_38, %mul3A_39 : i32
        %get3A = arith.index_cast %mul3A_40 : i32 to index
        %get3A_41 = tpu.vector_load %arg6[%get3A] {strides = array<i32>} : memref<2000xf32, #tpu.memory_space<vmem>>, vector<16xf32>,
        %mul3A_42 = arith.constant 16 : i32
        %mul3A_43 = arith.muli %while3A_38, %mul3A_42 : i32
        %get3A_44 = arith.index_cast %mul3A_43 : i32 to index
        %get3A_45 = tpu.vector_load %arg7[%get3A_44] {strides = array<i32>} : memref<2000xi32, #tpu.memory_space<vmem>>, vector<16xi32>,
        %mul3A_46 = arith.constant 16 : i32
        %mul3A_47 = arith.muli %while3A_38, %mul3A_46 : i32
        %add3A_48 = arith.addi %add3A_27, %mul3A_47 : i32
        %add3A_49 = vector.broadcast %add3A_48 : i32 to vector<16xi32>
        %add3A_50 = arith.addi %add3A_49, %iota3A : vector<16xi32>
        %sub3A = arith.constant 1 : i32
        %sub3A_51 = vector.broadcast %sub3A : i32 to vector<16xi32>
        %sub3A_52 = arith.subi %iota3A, %sub3A_51 : vector<16xi32>
        %max3A = arith.constant 0 : i32
        %max3A_53 = vector.broadcast %max3A : i32 to vector<16xi32>
        %max3A_54 = arith.maxsi %sub3A_52, %max3A_53 : vector<16xi32>
        %reshape3A = vector.shape_cast %max3A_54 : vector<16xi32> to vector<16x1xi32>
        %gather3A = vector.shape_cast %reshape3A : vector<16x1xi32> to vector<16xi32>
        %gather3A_55 = tpu.dynamic_gather %get3A_41[%gather3A] in [0] : vector<16xf32>, vector<16xi32> -> vector<16xf32>
        %reshape3A_56 = vector.shape_cast %max3A_54 : vector<16xi32> to vector<16x1xi32>
        %gather3A_57 = vector.shape_cast %reshape3A_56 : vector<16x1xi32> to vector<16xi32>
        %gather3A_58 = tpu.dynamic_gather %add3A_50[%gather3A_57] in [0] : vector<16xi32>, vector<16xi32> -> vector<16xi32>
        %reshape3A_59 = vector.shape_cast %max3A_54 : vector<16xi32> to vector<16x1xi32>
        %gather3A_60 = vector.shape_cast %reshape3A_59 : vector<16x1xi32> to vector<16xi32>
        %gather3A_61 = tpu.dynamic_gather %get3A_45[%gather3A_60] in [0] : vector<16xi32>, vector<16xi32> -> vector<16xi32>
        %eq3A = arith.cmpi eq, %gather3A_61, %get3A_45 : vector<16xi32>
        %ge3A = arith.constant 1 : i32
        %ge3A_62 = vector.broadcast %ge3A : i32 to vector<16xi32>
        %ge3A_63 = arith.cmpi sge, %iota3A, %ge3A_62 : vector<16xi32>
        %and3A = arith.andi %eq3A, %ge3A_63 : vector<16xi1>
        %ge3A_64 = arith.cmpf oge, %gather3A_55, %get3A_41 : vector<16xf32>
        %and3A_65 = arith.andi %and3A, %ge3A_64 : vector<16xi1>
        %max3A_66 = arith.maximumf %get3A_41, %gather3A_55 : vector<16xf32>
        %select_n3A = arith.select %and3A, %max3A_66, %get3A_41 : vector<16xi1>, vector<16xf32>
        %select_n3A_67 = arith.select %and3A_65, %gather3A_58, %add3A_50 : vector<16xi1>, vector<16xi32>
        %sub3A_68 = arith.constant 2 : i32
        %sub3A_69 = vector.broadcast %sub3A_68 : i32 to vector<16xi32>
        %sub3A_70 = arith.subi %iota3A, %sub3A_69 : vector<16xi32>
        %max3A_71 = arith.constant 0 : i32
        %max3A_72 = vector.broadcast %max3A_71 : i32 to vector<16xi32>
        %max3A_73 = arith.maxsi %sub3A_70, %max3A_72 : vector<16xi32>
        %reshape3A_74 = vector.shape_cast %max3A_73 : vector<16xi32> to vector<16x1xi32>
        %gather3A_75 = vector.shape_cast %reshape3A_74 : vector<16x1xi32> to vector<16xi32>
        %gather3A_76 = tpu.dynamic_gather %select_n3A[%gather3A_75] in [0] : vector<16xf32>, vector<16xi32> -> vector<16xf32>
        %reshape3A_77 = vector.shape_cast %max3A_73 : vector<16xi32> to vector<16x1xi32>
        %gather3A_78 = vector.shape_cast %reshape3A_77 : vector<16x1xi32> to vector<16xi32>
        %gather3A_79 = tpu.dynamic_gather %select_n3A_67[%gather3A_78] in [0] : vector<16xi32>, vector<16xi32> -> vector<16xi32>
        %reshape3A_80 = vector.shape_cast %max3A_73 : vector<16xi32> to vector<16x1xi32>
        %gather3A_81 = vector.shape_cast %reshape3A_80 : vector<16x1xi32> to vector<16xi32>
        %gather3A_82 = tpu.dynamic_gather %get3A_45[%gather3A_81] in [0] : vector<16xi32>, vector<16xi32> -> vector<16xi32>
        %eq3A_83 = arith.cmpi eq, %gather3A_82, %get3A_45 : vector<16xi32>
        %ge3A_84 = arith.constant 2 : i32
        %ge3A_85 = vector.broadcast %ge3A_84 : i32 to vector<16xi32>
        %ge3A_86 = arith.cmpi sge, %iota3A, %ge3A_85 : vector<16xi32>
        %and3A_87 = arith.andi %eq3A_83, %ge3A_86 : vector<16xi1>
        %ge3A_88 = arith.cmpf oge, %gather3A_76, %select_n3A : vector<16xf32>
        %and3A_89 = arith.andi %and3A_87, %ge3A_88 : vector<16xi1>
        %max3A_90 = arith.maximumf %select_n3A, %gather3A_76 : vector<16xf32>
        %select_n3A_91 = arith.select %and3A_87, %max3A_90, %select_n3A : vector<16xi1>, vector<16xf32>
        %select_n3A_92 = arith.select %and3A_89, %gather3A_79, %select_n3A_67 : vector<16xi1>, vector<16xi32>
        %sub3A_93 = arith.constant 4 : i32
        %sub3A_94 = vector.broadcast %sub3A_93 : i32 to vector<16xi32>
        %sub3A_95 = arith.subi %iota3A, %sub3A_94 : vector<16xi32>
        %max3A_96 = arith.constant 0 : i32
        %max3A_97 = vector.broadcast %max3A_96 : i32 to vector<16xi32>
        %max3A_98 = arith.maxsi %sub3A_95, %max3A_97 : vector<16xi32>
        %reshape3A_99 = vector.shape_cast %max3A_98 : vector<16xi32> to vector<16x1xi32>
        %gather3A_100 = vector.shape_cast %reshape3A_99 : vector<16x1xi32> to vector<16xi32>
        %gather3A_101 = tpu.dynamic_gather %select_n3A_91[%gather3A_100] in [0] : vector<16xf32>, vector<16xi32> -> vector<16xf32>
        %reshape3A_102 = vector.shape_cast %max3A_98 : vector<16xi32> to vector<16x1xi32>
        %gather3A_103 = vector.shape_cast %reshape3A_102 : vector<16x1xi32> to vector<16xi32>
        %gather3A_104 = tpu.dynamic_gather %select_n3A_92[%gather3A_103] in [0] : vector<16xi32>, vector<16xi32> -> vector<16xi32>
        %reshape3A_105 = vector.shape_cast %max3A_98 : vector<16xi32> to vector<16x1xi32>
        %gather3A_106 = vector.shape_cast %reshape3A_105 : vector<16x1xi32> to vector<16xi32>
        %gather3A_107 = tpu.dynamic_gather %get3A_45[%gather3A_106] in [0] : vector<16xi32>, vector<16xi32> -> vector<16xi32>
        %eq3A_108 = arith.cmpi eq, %gather3A_107, %get3A_45 : vector<16xi32>
        %ge3A_109 = arith.constant 4 : i32
        %ge3A_110 = vector.broadcast %ge3A_109 : i32 to vector<16xi32>
        %ge3A_111 = arith.cmpi sge, %iota3A, %ge3A_110 : vector<16xi32>
        %and3A_112 = arith.andi %eq3A_108, %ge3A_111 : vector<16xi1>
        %ge3A_113 = arith.cmpf oge, %gather3A_101, %select_n3A_91 : vector<16xf32>
        %and3A_114 = arith.andi %and3A_112, %ge3A_113 : vector<16xi1>
        %max3A_115 = arith.maximumf %select_n3A_91, %gather3A_101 : vector<16xf32>
        %select_n3A_116 = arith.select %and3A_112, %max3A_115, %select_n3A_91 : vector<16xi1>, vector<16xf32>
        %select_n3A_117 = arith.select %and3A_114, %gather3A_104, %select_n3A_92 : vector<16xi1>, vector<16xi32>
        %sub3A_118 = arith.constant 8 : i32
        %sub3A_119 = vector.broadcast %sub3A_118 : i32 to vector<16xi32>
        %sub3A_120 = arith.subi %iota3A, %sub3A_119 : vector<16xi32>
        %max3A_121 = arith.constant 0 : i32
        %max3A_122 = vector.broadcast %max3A_121 : i32 to vector<16xi32>
        %max3A_123 = arith.maxsi %sub3A_120, %max3A_122 : vector<16xi32>
        %reshape3A_124 = vector.shape_cast %max3A_123 : vector<16xi32> to vector<16x1xi32>
        %gather3A_125 = vector.shape_cast %reshape3A_124 : vector<16x1xi32> to vector<16xi32>
        %gather3A_126 = tpu.dynamic_gather %select_n3A_116[%gather3A_125] in [0] : vector<16xf32>, vector<16xi32> -> vector<16xf32>
        %reshape3A_127 = vector.shape_cast %max3A_123 : vector<16xi32> to vector<16x1xi32>
        %gather3A_128 = vector.shape_cast %reshape3A_127 : vector<16x1xi32> to vector<16xi32>
        %gather3A_129 = tpu.dynamic_gather %select_n3A_117[%gather3A_128] in [0] : vector<16xi32>, vector<16xi32> -> vector<16xi32>
        %reshape3A_130 = vector.shape_cast %max3A_123 : vector<16xi32> to vector<16x1xi32>
        %gather3A_131 = vector.shape_cast %reshape3A_130 : vector<16x1xi32> to vector<16xi32>
        %gather3A_132 = tpu.dynamic_gather %get3A_45[%gather3A_131] in [0] : vector<16xi32>, vector<16xi32> -> vector<16xi32>
        %eq3A_133 = arith.cmpi eq, %gather3A_132, %get3A_45 : vector<16xi32>
        %ge3A_134 = arith.constant 8 : i32
        %ge3A_135 = vector.broadcast %ge3A_134 : i32 to vector<16xi32>
        %ge3A_136 = arith.cmpi sge, %iota3A, %ge3A_135 : vector<16xi32>
        %and3A_137 = arith.andi %eq3A_133, %ge3A_136 : vector<16xi1>
        %ge3A_138 = arith.cmpf oge, %gather3A_126, %select_n3A_116 : vector<16xf32>
        %and3A_139 = arith.andi %and3A_137, %ge3A_138 : vector<16xi1>
        %max3A_140 = arith.maximumf %select_n3A_116, %gather3A_126 : vector<16xf32>
        %select_n3A_141 = arith.select %and3A_137, %max3A_140, %select_n3A_116 : vector<16xi1>, vector<16xf32>
        %select_n3A_142 = arith.select %and3A_139, %gather3A_129, %select_n3A_117 : vector<16xi1>, vector<16xi32>
        %gather3A_143 = tpu.vector_load_idx %arg8[%get3A_45] : memref<53248xf32, #tpu.memory_space<vmem>>[vector<16xi32>], vector<16xf32>,
        %gather3A_144 = tpu.vector_load_idx %arg9[%get3A_45] : memref<53248xi32, #tpu.memory_space<vmem>>[vector<16xi32>], vector<16xi32>,
        %gt3A = arith.cmpf ogt, %select_n3A_141, %gather3A_143 : vector<16xf32>
        %max3A_145 = arith.maximumf %select_n3A_141, %gather3A_143 : vector<16xf32>
        %select_n3A_146 = arith.select %gt3A, %select_n3A_142, %gather3A_144 : vector<16xi1>, vector<16xi32>
        %add3A_147 = arith.constant 1 : i32
        %add3A_148 = vector.broadcast %add3A_147 : i32 to vector<16xi32>
        %add3A_149 = arith.addi %iota3A, %add3A_148 : vector<16xi32>
        %min3A = arith.constant 15 : i32
        %min3A_150 = vector.broadcast %min3A : i32 to vector<16xi32>
        %min3A_151 = arith.minsi %add3A_149, %min3A_150 : vector<16xi32>
        %reshape3A_152 = vector.shape_cast %min3A_151 : vector<16xi32> to vector<16x1xi32>
        %gather3A_153 = vector.shape_cast %reshape3A_152 : vector<16x1xi32> to vector<16xi32>
        %gather3A_154 = tpu.dynamic_gather %get3A_45[%gather3A_153] in [0] : vector<16xi32>, vector<16xi32> -> vector<16xi32>
        %ne3A = arith.cmpi ne, %gather3A_154, %get3A_45 : vector<16xi32>
        %eq3A_155 = arith.constant 15 : i32
        %eq3A_156 = vector.broadcast %eq3A_155 : i32 to vector<16xi32>
        %eq3A_157 = arith.cmpi eq, %iota3A, %eq3A_156 : vector<16xi32>
        %or3A = arith.ori %ne3A, %eq3A_157 : vector<16xi1>
        tpu.vector_store_idx %arg8[%get3A_45], %max3A_145 masked %or3A : memref<53248xf32, #tpu.memory_space<vmem>>[vector<16xi32>], vector<16xf32>, vector<16xi1>
        tpu.vector_store_idx %arg9[%get3A_45], %select_n3A_146 masked %or3A : memref<53248xi32, #tpu.memory_space<vmem>>[vector<16xi32>], vector<16xi32>, vector<16xi1>
      }
    }
    %while3A_23 = arith.constant 1 : i32
    scf.for %while3A_24 = %while3A_21 to %while3A_17 step %while3A_23  : i32 {
      %mul3A_25 = arith.constant 2000 : i32
      %mul3A_26 = arith.muli %while3A_24, %mul3A_25 : i32
      %add3A_27 = arith.addi %mul3A_2, %mul3A_26 : i32
      "tpu.region"() ({
        %run_scoped3A = tpu.sem_alloc : memref<!tpu.dma_semaphore, #tpu.memory_space<semaphore_mem>>
        %dma_start3A = tpu.memref_slice %arg2[%add3A_27] : memref<1600000xf32, #tpu.memory_space<hbm>> -> memref<2000xf32, #tpu.memory_space<hbm>>
        %dma_start3A_38 = tpu.memref_slice %arg2[%add3A_27] : memref<1600000xf32, #tpu.memory_space<hbm>> -> memref<2000xf32, #tpu.memory_space<hbm>>
        tpu.enqueue_dma source(%dma_start3A_38 : memref<2000xf32, #tpu.memory_space<hbm>>) target(%arg6 : memref<2000xf32, #tpu.memory_space<vmem>>) target_semaphore(%run_scoped3A : memref<!tpu.dma_semaphore, #tpu.memory_space<semaphore_mem>>)
        %dma_wait3A = tpu.memref_slice %arg2[%add3A_27] : memref<1600000xf32, #tpu.memory_space<hbm>> -> memref<2000xf32, #tpu.memory_space<hbm>>
        %dma_wait3A_39 = tpu.memref_slice %arg2[%add3A_27] : memref<1600000xf32, #tpu.memory_space<hbm>> -> memref<2000xf32, #tpu.memory_space<hbm>>
        tpu.wait_dma2 semaphore(%run_scoped3A : memref<!tpu.dma_semaphore, #tpu.memory_space<semaphore_mem>>) src(%dma_wait3A_39 : memref<2000xf32, #tpu.memory_space<hbm>>) dst(%arg6 : memref<2000xf32, #tpu.memory_space<vmem>>)
        tpu.yield
      }) : () -> ()
      "tpu.region"() ({
        %run_scoped3A = tpu.sem_alloc : memref<!tpu.dma_semaphore, #tpu.memory_space<semaphore_mem>>
        %dma_start3A = tpu.memref_slice %arg3[%add3A_27] : memref<1600000xi32, #tpu.memory_space<hbm>> -> memref<2000xi32, #tpu.memory_space<hbm>>
        %dma_start3A_38 = tpu.memref_slice %arg3[%add3A_27] : memref<1600000xi32, #tpu.memory_space<hbm>> -> memref<2000xi32, #tpu.memory_space<hbm>>
        tpu.enqueue_dma source(%dma_start3A_38 : memref<2000xi32, #tpu.memory_space<hbm>>) target(%arg7 : memref<2000xi32, #tpu.memory_space<vmem>>) target_semaphore(%run_scoped3A : memref<!tpu.dma_semaphore, #tpu.memory_space<semaphore_mem>>)
        %dma_wait3A = tpu.memref_slice %arg3[%add3A_27] : memref<1600000xi32, #tpu.memory_space<hbm>> -> memref<2000xi32, #tpu.memory_space<hbm>>
        %dma_wait3A_39 = tpu.memref_slice %arg3[%add3A_27] : memref<1600000xi32, #tpu.memory_space<hbm>> -> memref<2000xi32, #tpu.memory_space<hbm>>
        tpu.wait_dma2 semaphore(%run_scoped3A : memref<!tpu.dma_semaphore, #tpu.memory_space<semaphore_mem>>) src(%dma_wait3A_39 : memref<2000xi32, #tpu.memory_space<hbm>>) dst(%arg7 : memref<2000xi32, #tpu.memory_space<vmem>>)
        tpu.yield
      }) : () -> ()
      %while3A_28 = arith.constant 0 : i32
      %while3A_29 = arith.constant 125 : i32
      %while3A_30 = arith.subi %while3A_29, %while3A_28 : i32
      %while3A_31 = arith.addi %while3A_28, %while3A_30 : i32
      %while3A_32 = arith.constant 1 : i32
      %while3A_33 = arith.divsi %while3A_30, %while3A_32 : i32
      %while3A_34 = arith.muli %while3A_33, %while3A_32 : i32
      %while3A_35 = arith.addi %while3A_28, %while3A_34 : i32
      %while3A_36 = arith.constant 1 : i32
      scf.for %while3A_38 = %while3A_28 to %while3A_35 step %while3A_36  : i32 {
        %mul3A_39 = arith.constant 16 : i32
        %mul3A_40 = arith.muli %while3A_38, %mul3A_39 : i32
        %get3A = arith.index_cast %mul3A_40 : i32 to index
        %get3A_41 = tpu.vector_load %arg6[%get3A] {strides = array<i32>} : memref<2000xf32, #tpu.memory_space<vmem>>, vector<16xf32>,
        %mul3A_42 = arith.constant 16 : i32
        %mul3A_43 = arith.muli %while3A_38, %mul3A_42 : i32
        %get3A_44 = arith.index_cast %mul3A_43 : i32 to index
        %get3A_45 = tpu.vector_load %arg7[%get3A_44] {strides = array<i32>} : memref<2000xi32, #tpu.memory_space<vmem>>, vector<16xi32>,
        %mul3A_46 = arith.constant 16 : i32
        %mul3A_47 = arith.muli %while3A_38, %mul3A_46 : i32
        %add3A_48 = arith.addi %add3A_27, %mul3A_47 : i32
        %add3A_49 = vector.broadcast %add3A_48 : i32 to vector<16xi32>
        %add3A_50 = arith.addi %add3A_49, %iota3A : vector<16xi32>
        %sub3A = arith.constant 1 : i32
        %sub3A_51 = vector.broadcast %sub3A : i32 to vector<16xi32>
        %sub3A_52 = arith.subi %iota3A, %sub3A_51 : vector<16xi32>
        %max3A = arith.constant 0 : i32
        %max3A_53 = vector.broadcast %max3A : i32 to vector<16xi32>
        %max3A_54 = arith.maxsi %sub3A_52, %max3A_53 : vector<16xi32>
        %reshape3A = vector.shape_cast %max3A_54 : vector<16xi32> to vector<16x1xi32>
        %gather3A = vector.shape_cast %reshape3A : vector<16x1xi32> to vector<16xi32>
        %gather3A_55 = tpu.dynamic_gather %get3A_41[%gather3A] in [0] : vector<16xf32>, vector<16xi32> -> vector<16xf32>
        %reshape3A_56 = vector.shape_cast %max3A_54 : vector<16xi32> to vector<16x1xi32>
        %gather3A_57 = vector.shape_cast %reshape3A_56 : vector<16x1xi32> to vector<16xi32>
        %gather3A_58 = tpu.dynamic_gather %add3A_50[%gather3A_57] in [0] : vector<16xi32>, vector<16xi32> -> vector<16xi32>
        %reshape3A_59 = vector.shape_cast %max3A_54 : vector<16xi32> to vector<16x1xi32>
        %gather3A_60 = vector.shape_cast %reshape3A_59 : vector<16x1xi32> to vector<16xi32>
        %gather3A_61 = tpu.dynamic_gather %get3A_45[%gather3A_60] in [0] : vector<16xi32>, vector<16xi32> -> vector<16xi32>
        %eq3A = arith.cmpi eq, %gather3A_61, %get3A_45 : vector<16xi32>
        %ge3A = arith.constant 1 : i32
        %ge3A_62 = vector.broadcast %ge3A : i32 to vector<16xi32>
        %ge3A_63 = arith.cmpi sge, %iota3A, %ge3A_62 : vector<16xi32>
        %and3A = arith.andi %eq3A, %ge3A_63 : vector<16xi1>
        %ge3A_64 = arith.cmpf oge, %gather3A_55, %get3A_41 : vector<16xf32>
        %and3A_65 = arith.andi %and3A, %ge3A_64 : vector<16xi1>
        %max3A_66 = arith.maximumf %get3A_41, %gather3A_55 : vector<16xf32>
        %select_n3A = arith.select %and3A, %max3A_66, %get3A_41 : vector<16xi1>, vector<16xf32>
        %select_n3A_67 = arith.select %and3A_65, %gather3A_58, %add3A_50 : vector<16xi1>, vector<16xi32>
        %sub3A_68 = arith.constant 2 : i32
        %sub3A_69 = vector.broadcast %sub3A_68 : i32 to vector<16xi32>
        %sub3A_70 = arith.subi %iota3A, %sub3A_69 : vector<16xi32>
        %max3A_71 = arith.constant 0 : i32
        %max3A_72 = vector.broadcast %max3A_71 : i32 to vector<16xi32>
        %max3A_73 = arith.maxsi %sub3A_70, %max3A_72 : vector<16xi32>
        %reshape3A_74 = vector.shape_cast %max3A_73 : vector<16xi32> to vector<16x1xi32>
        %gather3A_75 = vector.shape_cast %reshape3A_74 : vector<16x1xi32> to vector<16xi32>
        %gather3A_76 = tpu.dynamic_gather %select_n3A[%gather3A_75] in [0] : vector<16xf32>, vector<16xi32> -> vector<16xf32>
        %reshape3A_77 = vector.shape_cast %max3A_73 : vector<16xi32> to vector<16x1xi32>
        %gather3A_78 = vector.shape_cast %reshape3A_77 : vector<16x1xi32> to vector<16xi32>
        %gather3A_79 = tpu.dynamic_gather %select_n3A_67[%gather3A_78] in [0] : vector<16xi32>, vector<16xi32> -> vector<16xi32>
        %reshape3A_80 = vector.shape_cast %max3A_73 : vector<16xi32> to vector<16x1xi32>
        %gather3A_81 = vector.shape_cast %reshape3A_80 : vector<16x1xi32> to vector<16xi32>
        %gather3A_82 = tpu.dynamic_gather %get3A_45[%gather3A_81] in [0] : vector<16xi32>, vector<16xi32> -> vector<16xi32>
        %eq3A_83 = arith.cmpi eq, %gather3A_82, %get3A_45 : vector<16xi32>
        %ge3A_84 = arith.constant 2 : i32
        %ge3A_85 = vector.broadcast %ge3A_84 : i32 to vector<16xi32>
        %ge3A_86 = arith.cmpi sge, %iota3A, %ge3A_85 : vector<16xi32>
        %and3A_87 = arith.andi %eq3A_83, %ge3A_86 : vector<16xi1>
        %ge3A_88 = arith.cmpf oge, %gather3A_76, %select_n3A : vector<16xf32>
        %and3A_89 = arith.andi %and3A_87, %ge3A_88 : vector<16xi1>
        %max3A_90 = arith.maximumf %select_n3A, %gather3A_76 : vector<16xf32>
        %select_n3A_91 = arith.select %and3A_87, %max3A_90, %select_n3A : vector<16xi1>, vector<16xf32>
        %select_n3A_92 = arith.select %and3A_89, %gather3A_79, %select_n3A_67 : vector<16xi1>, vector<16xi32>
        %sub3A_93 = arith.constant 4 : i32
        %sub3A_94 = vector.broadcast %sub3A_93 : i32 to vector<16xi32>
        %sub3A_95 = arith.subi %iota3A, %sub3A_94 : vector<16xi32>
        %max3A_96 = arith.constant 0 : i32
        %max3A_97 = vector.broadcast %max3A_96 : i32 to vector<16xi32>
        %max3A_98 = arith.maxsi %sub3A_95, %max3A_97 : vector<16xi32>
        %reshape3A_99 = vector.shape_cast %max3A_98 : vector<16xi32> to vector<16x1xi32>
        %gather3A_100 = vector.shape_cast %reshape3A_99 : vector<16x1xi32> to vector<16xi32>
        %gather3A_101 = tpu.dynamic_gather %select_n3A_91[%gather3A_100] in [0] : vector<16xf32>, vector<16xi32> -> vector<16xf32>
        %reshape3A_102 = vector.shape_cast %max3A_98 : vector<16xi32> to vector<16x1xi32>
        %gather3A_103 = vector.shape_cast %reshape3A_102 : vector<16x1xi32> to vector<16xi32>
        %gather3A_104 = tpu.dynamic_gather %select_n3A_92[%gather3A_103] in [0] : vector<16xi32>, vector<16xi32> -> vector<16xi32>
        %reshape3A_105 = vector.shape_cast %max3A_98 : vector<16xi32> to vector<16x1xi32>
        %gather3A_106 = vector.shape_cast %reshape3A_105 : vector<16x1xi32> to vector<16xi32>
        %gather3A_107 = tpu.dynamic_gather %get3A_45[%gather3A_106] in [0] : vector<16xi32>, vector<16xi32> -> vector<16xi32>
        %eq3A_108 = arith.cmpi eq, %gather3A_107, %get3A_45 : vector<16xi32>
        %ge3A_109 = arith.constant 4 : i32
        %ge3A_110 = vector.broadcast %ge3A_109 : i32 to vector<16xi32>
        %ge3A_111 = arith.cmpi sge, %iota3A, %ge3A_110 : vector<16xi32>
        %and3A_112 = arith.andi %eq3A_108, %ge3A_111 : vector<16xi1>
        %ge3A_113 = arith.cmpf oge, %gather3A_101, %select_n3A_91 : vector<16xf32>
        %and3A_114 = arith.andi %and3A_112, %ge3A_113 : vector<16xi1>
        %max3A_115 = arith.maximumf %select_n3A_91, %gather3A_101 : vector<16xf32>
        %select_n3A_116 = arith.select %and3A_112, %max3A_115, %select_n3A_91 : vector<16xi1>, vector<16xf32>
        %select_n3A_117 = arith.select %and3A_114, %gather3A_104, %select_n3A_92 : vector<16xi1>, vector<16xi32>
        %sub3A_118 = arith.constant 8 : i32
        %sub3A_119 = vector.broadcast %sub3A_118 : i32 to vector<16xi32>
        %sub3A_120 = arith.subi %iota3A, %sub3A_119 : vector<16xi32>
        %max3A_121 = arith.constant 0 : i32
        %max3A_122 = vector.broadcast %max3A_121 : i32 to vector<16xi32>
        %max3A_123 = arith.maxsi %sub3A_120, %max3A_122 : vector<16xi32>
        %reshape3A_124 = vector.shape_cast %max3A_123 : vector<16xi32> to vector<16x1xi32>
        %gather3A_125 = vector.shape_cast %reshape3A_124 : vector<16x1xi32> to vector<16xi32>
        %gather3A_126 = tpu.dynamic_gather %select_n3A_116[%gather3A_125] in [0] : vector<16xf32>, vector<16xi32> -> vector<16xf32>
        %reshape3A_127 = vector.shape_cast %max3A_123 : vector<16xi32> to vector<16x1xi32>
        %gather3A_128 = vector.shape_cast %reshape3A_127 : vector<16x1xi32> to vector<16xi32>
        %gather3A_129 = tpu.dynamic_gather %select_n3A_117[%gather3A_128] in [0] : vector<16xi32>, vector<16xi32> -> vector<16xi32>
        %reshape3A_130 = vector.shape_cast %max3A_123 : vector<16xi32> to vector<16x1xi32>
        %gather3A_131 = vector.shape_cast %reshape3A_130 : vector<16x1xi32> to vector<16xi32>
        %gather3A_132 = tpu.dynamic_gather %get3A_45[%gather3A_131] in [0] : vector<16xi32>, vector<16xi32> -> vector<16xi32>
        %eq3A_133 = arith.cmpi eq, %gather3A_132, %get3A_45 : vector<16xi32>
        %ge3A_134 = arith.constant 8 : i32
        %ge3A_135 = vector.broadcast %ge3A_134 : i32 to vector<16xi32>
        %ge3A_136 = arith.cmpi sge, %iota3A, %ge3A_135 : vector<16xi32>
        %and3A_137 = arith.andi %eq3A_133, %ge3A_136 : vector<16xi1>
        %ge3A_138 = arith.cmpf oge, %gather3A_126, %select_n3A_116 : vector<16xf32>
        %and3A_139 = arith.andi %and3A_137, %ge3A_138 : vector<16xi1>
        %max3A_140 = arith.maximumf %select_n3A_116, %gather3A_126 : vector<16xf32>
        %select_n3A_141 = arith.select %and3A_137, %max3A_140, %select_n3A_116 : vector<16xi1>, vector<16xf32>
        %select_n3A_142 = arith.select %and3A_139, %gather3A_129, %select_n3A_117 : vector<16xi1>, vector<16xi32>
        %gather3A_143 = tpu.vector_load_idx %arg8[%get3A_45] : memref<53248xf32, #tpu.memory_space<vmem>>[vector<16xi32>], vector<16xf32>,
        %gather3A_144 = tpu.vector_load_idx %arg9[%get3A_45] : memref<53248xi32, #tpu.memory_space<vmem>>[vector<16xi32>], vector<16xi32>,
        %gt3A = arith.cmpf ogt, %select_n3A_141, %gather3A_143 : vector<16xf32>
        %max3A_145 = arith.maximumf %select_n3A_141, %gather3A_143 : vector<16xf32>
        %select_n3A_146 = arith.select %gt3A, %select_n3A_142, %gather3A_144 : vector<16xi1>, vector<16xi32>
        %add3A_147 = arith.constant 1 : i32
        %add3A_148 = vector.broadcast %add3A_147 : i32 to vector<16xi32>
        %add3A_149 = arith.addi %iota3A, %add3A_148 : vector<16xi32>
        %min3A = arith.constant 15 : i32
        %min3A_150 = vector.broadcast %min3A : i32 to vector<16xi32>
        %min3A_151 = arith.minsi %add3A_149, %min3A_150 : vector<16xi32>
        %reshape3A_152 = vector.shape_cast %min3A_151 : vector<16xi32> to vector<16x1xi32>
        %gather3A_153 = vector.shape_cast %reshape3A_152 : vector<16x1xi32> to vector<16xi32>
        %gather3A_154 = tpu.dynamic_gather %get3A_45[%gather3A_153] in [0] : vector<16xi32>, vector<16xi32> -> vector<16xi32>
        %ne3A = arith.cmpi ne, %gather3A_154, %get3A_45 : vector<16xi32>
        %eq3A_155 = arith.constant 15 : i32
        %eq3A_156 = vector.broadcast %eq3A_155 : i32 to vector<16xi32>
        %eq3A_157 = arith.cmpi eq, %iota3A, %eq3A_156 : vector<16xi32>
        %or3A = arith.ori %ne3A, %eq3A_157 : vector<16xi1>
        tpu.vector_store_idx %arg8[%get3A_45], %max3A_145 masked %or3A : memref<53248xf32, #tpu.memory_space<vmem>>[vector<16xi32>], vector<16xf32>, vector<16xi1>
        tpu.vector_store_idx %arg9[%get3A_45], %select_n3A_146 masked %or3A : memref<53248xi32, #tpu.memory_space<vmem>>[vector<16xi32>], vector<16xi32>, vector<16xi1>
      }
      %while3A_37 = arith.constant 1 : i32
      scf.for %while3A_38 = %while3A_35 to %while3A_31 step %while3A_37  : i32 {
        %mul3A_39 = arith.constant 16 : i32
        %mul3A_40 = arith.muli %while3A_38, %mul3A_39 : i32
        %get3A = arith.index_cast %mul3A_40 : i32 to index
        %get3A_41 = tpu.vector_load %arg6[%get3A] {strides = array<i32>} : memref<2000xf32, #tpu.memory_space<vmem>>, vector<16xf32>,
        %mul3A_42 = arith.constant 16 : i32
        %mul3A_43 = arith.muli %while3A_38, %mul3A_42 : i32
        %get3A_44 = arith.index_cast %mul3A_43 : i32 to index
        %get3A_45 = tpu.vector_load %arg7[%get3A_44] {strides = array<i32>} : memref<2000xi32, #tpu.memory_space<vmem>>, vector<16xi32>,
        %mul3A_46 = arith.constant 16 : i32
        %mul3A_47 = arith.muli %while3A_38, %mul3A_46 : i32
        %add3A_48 = arith.addi %add3A_27, %mul3A_47 : i32
        %add3A_49 = vector.broadcast %add3A_48 : i32 to vector<16xi32>
        %add3A_50 = arith.addi %add3A_49, %iota3A : vector<16xi32>
        %sub3A = arith.constant 1 : i32
        %sub3A_51 = vector.broadcast %sub3A : i32 to vector<16xi32>
        %sub3A_52 = arith.subi %iota3A, %sub3A_51 : vector<16xi32>
        %max3A = arith.constant 0 : i32
        %max3A_53 = vector.broadcast %max3A : i32 to vector<16xi32>
        %max3A_54 = arith.maxsi %sub3A_52, %max3A_53 : vector<16xi32>
        %reshape3A = vector.shape_cast %max3A_54 : vector<16xi32> to vector<16x1xi32>
        %gather3A = vector.shape_cast %reshape3A : vector<16x1xi32> to vector<16xi32>
        %gather3A_55 = tpu.dynamic_gather %get3A_41[%gather3A] in [0] : vector<16xf32>, vector<16xi32> -> vector<16xf32>
        %reshape3A_56 = vector.shape_cast %max3A_54 : vector<16xi32> to vector<16x1xi32>
        %gather3A_57 = vector.shape_cast %reshape3A_56 : vector<16x1xi32> to vector<16xi32>
        %gather3A_58 = tpu.dynamic_gather %add3A_50[%gather3A_57] in [0] : vector<16xi32>, vector<16xi32> -> vector<16xi32>
        %reshape3A_59 = vector.shape_cast %max3A_54 : vector<16xi32> to vector<16x1xi32>
        %gather3A_60 = vector.shape_cast %reshape3A_59 : vector<16x1xi32> to vector<16xi32>
        %gather3A_61 = tpu.dynamic_gather %get3A_45[%gather3A_60] in [0] : vector<16xi32>, vector<16xi32> -> vector<16xi32>
        %eq3A = arith.cmpi eq, %gather3A_61, %get3A_45 : vector<16xi32>
        %ge3A = arith.constant 1 : i32
        %ge3A_62 = vector.broadcast %ge3A : i32 to vector<16xi32>
        %ge3A_63 = arith.cmpi sge, %iota3A, %ge3A_62 : vector<16xi32>
        %and3A = arith.andi %eq3A, %ge3A_63 : vector<16xi1>
        %ge3A_64 = arith.cmpf oge, %gather3A_55, %get3A_41 : vector<16xf32>
        %and3A_65 = arith.andi %and3A, %ge3A_64 : vector<16xi1>
        %max3A_66 = arith.maximumf %get3A_41, %gather3A_55 : vector<16xf32>
        %select_n3A = arith.select %and3A, %max3A_66, %get3A_41 : vector<16xi1>, vector<16xf32>
        %select_n3A_67 = arith.select %and3A_65, %gather3A_58, %add3A_50 : vector<16xi1>, vector<16xi32>
        %sub3A_68 = arith.constant 2 : i32
        %sub3A_69 = vector.broadcast %sub3A_68 : i32 to vector<16xi32>
        %sub3A_70 = arith.subi %iota3A, %sub3A_69 : vector<16xi32>
        %max3A_71 = arith.constant 0 : i32
        %max3A_72 = vector.broadcast %max3A_71 : i32 to vector<16xi32>
        %max3A_73 = arith.maxsi %sub3A_70, %max3A_72 : vector<16xi32>
        %reshape3A_74 = vector.shape_cast %max3A_73 : vector<16xi32> to vector<16x1xi32>
        %gather3A_75 = vector.shape_cast %reshape3A_74 : vector<16x1xi32> to vector<16xi32>
        %gather3A_76 = tpu.dynamic_gather %select_n3A[%gather3A_75] in [0] : vector<16xf32>, vector<16xi32> -> vector<16xf32>
        %reshape3A_77 = vector.shape_cast %max3A_73 : vector<16xi32> to vector<16x1xi32>
        %gather3A_78 = vector.shape_cast %reshape3A_77 : vector<16x1xi32> to vector<16xi32>
        %gather3A_79 = tpu.dynamic_gather %select_n3A_67[%gather3A_78] in [0] : vector<16xi32>, vector<16xi32> -> vector<16xi32>
        %reshape3A_80 = vector.shape_cast %max3A_73 : vector<16xi32> to vector<16x1xi32>
        %gather3A_81 = vector.shape_cast %reshape3A_80 : vector<16x1xi32> to vector<16xi32>
        %gather3A_82 = tpu.dynamic_gather %get3A_45[%gather3A_81] in [0] : vector<16xi32>, vector<16xi32> -> vector<16xi32>
        %eq3A_83 = arith.cmpi eq, %gather3A_82, %get3A_45 : vector<16xi32>
        %ge3A_84 = arith.constant 2 : i32
        %ge3A_85 = vector.broadcast %ge3A_84 : i32 to vector<16xi32>
        %ge3A_86 = arith.cmpi sge, %iota3A, %ge3A_85 : vector<16xi32>
        %and3A_87 = arith.andi %eq3A_83, %ge3A_86 : vector<16xi1>
        %ge3A_88 = arith.cmpf oge, %gather3A_76, %select_n3A : vector<16xf32>
        %and3A_89 = arith.andi %and3A_87, %ge3A_88 : vector<16xi1>
        %max3A_90 = arith.maximumf %select_n3A, %gather3A_76 : vector<16xf32>
        %select_n3A_91 = arith.select %and3A_87, %max3A_90, %select_n3A : vector<16xi1>, vector<16xf32>
        %select_n3A_92 = arith.select %and3A_89, %gather3A_79, %select_n3A_67 : vector<16xi1>, vector<16xi32>
        %sub3A_93 = arith.constant 4 : i32
        %sub3A_94 = vector.broadcast %sub3A_93 : i32 to vector<16xi32>
        %sub3A_95 = arith.subi %iota3A, %sub3A_94 : vector<16xi32>
        %max3A_96 = arith.constant 0 : i32
        %max3A_97 = vector.broadcast %max3A_96 : i32 to vector<16xi32>
        %max3A_98 = arith.maxsi %sub3A_95, %max3A_97 : vector<16xi32>
        %reshape3A_99 = vector.shape_cast %max3A_98 : vector<16xi32> to vector<16x1xi32>
        %gather3A_100 = vector.shape_cast %reshape3A_99 : vector<16x1xi32> to vector<16xi32>
        %gather3A_101 = tpu.dynamic_gather %select_n3A_91[%gather3A_100] in [0] : vector<16xf32>, vector<16xi32> -> vector<16xf32>
        %reshape3A_102 = vector.shape_cast %max3A_98 : vector<16xi32> to vector<16x1xi32>
        %gather3A_103 = vector.shape_cast %reshape3A_102 : vector<16x1xi32> to vector<16xi32>
        %gather3A_104 = tpu.dynamic_gather %select_n3A_92[%gather3A_103] in [0] : vector<16xi32>, vector<16xi32> -> vector<16xi32>
        %reshape3A_105 = vector.shape_cast %max3A_98 : vector<16xi32> to vector<16x1xi32>
        %gather3A_106 = vector.shape_cast %reshape3A_105 : vector<16x1xi32> to vector<16xi32>
        %gather3A_107 = tpu.dynamic_gather %get3A_45[%gather3A_106] in [0] : vector<16xi32>, vector<16xi32> -> vector<16xi32>
        %eq3A_108 = arith.cmpi eq, %gather3A_107, %get3A_45 : vector<16xi32>
        %ge3A_109 = arith.constant 4 : i32
        %ge3A_110 = vector.broadcast %ge3A_109 : i32 to vector<16xi32>
        %ge3A_111 = arith.cmpi sge, %iota3A, %ge3A_110 : vector<16xi32>
        %and3A_112 = arith.andi %eq3A_108, %ge3A_111 : vector<16xi1>
        %ge3A_113 = arith.cmpf oge, %gather3A_101, %select_n3A_91 : vector<16xf32>
        %and3A_114 = arith.andi %and3A_112, %ge3A_113 : vector<16xi1>
        %max3A_115 = arith.maximumf %select_n3A_91, %gather3A_101 : vector<16xf32>
        %select_n3A_116 = arith.select %and3A_112, %max3A_115, %select_n3A_91 : vector<16xi1>, vector<16xf32>
        %select_n3A_117 = arith.select %and3A_114, %gather3A_104, %select_n3A_92 : vector<16xi1>, vector<16xi32>
        %sub3A_118 = arith.constant 8 : i32
        %sub3A_119 = vector.broadcast %sub3A_118 : i32 to vector<16xi32>
        %sub3A_120 = arith.subi %iota3A, %sub3A_119 : vector<16xi32>
        %max3A_121 = arith.constant 0 : i32
        %max3A_122 = vector.broadcast %max3A_121 : i32 to vector<16xi32>
        %max3A_123 = arith.maxsi %sub3A_120, %max3A_122 : vector<16xi32>
        %reshape3A_124 = vector.shape_cast %max3A_123 : vector<16xi32> to vector<16x1xi32>
        %gather3A_125 = vector.shape_cast %reshape3A_124 : vector<16x1xi32> to vector<16xi32>
        %gather3A_126 = tpu.dynamic_gather %select_n3A_116[%gather3A_125] in [0] : vector<16xf32>, vector<16xi32> -> vector<16xf32>
        %reshape3A_127 = vector.shape_cast %max3A_123 : vector<16xi32> to vector<16x1xi32>
        %gather3A_128 = vector.shape_cast %reshape3A_127 : vector<16x1xi32> to vector<16xi32>
        %gather3A_129 = tpu.dynamic_gather %select_n3A_117[%gather3A_128] in [0] : vector<16xi32>, vector<16xi32> -> vector<16xi32>
        %reshape3A_130 = vector.shape_cast %max3A_123 : vector<16xi32> to vector<16x1xi32>
        %gather3A_131 = vector.shape_cast %reshape3A_130 : vector<16x1xi32> to vector<16xi32>
        %gather3A_132 = tpu.dynamic_gather %get3A_45[%gather3A_131] in [0] : vector<16xi32>, vector<16xi32> -> vector<16xi32>
        %eq3A_133 = arith.cmpi eq, %gather3A_132, %get3A_45 : vector<16xi32>
        %ge3A_134 = arith.constant 8 : i32
        %ge3A_135 = vector.broadcast %ge3A_134 : i32 to vector<16xi32>
        %ge3A_136 = arith.cmpi sge, %iota3A, %ge3A_135 : vector<16xi32>
        %and3A_137 = arith.andi %eq3A_133, %ge3A_136 : vector<16xi1>
        %ge3A_138 = arith.cmpf oge, %gather3A_126, %select_n3A_116 : vector<16xf32>
        %and3A_139 = arith.andi %and3A_137, %ge3A_138 : vector<16xi1>
        %max3A_140 = arith.maximumf %select_n3A_116, %gather3A_126 : vector<16xf32>
        %select_n3A_141 = arith.select %and3A_137, %max3A_140, %select_n3A_116 : vector<16xi1>, vector<16xf32>
        %select_n3A_142 = arith.select %and3A_139, %gather3A_129, %select_n3A_117 : vector<16xi1>, vector<16xi32>
        %gather3A_143 = tpu.vector_load_idx %arg8[%get3A_45] : memref<53248xf32, #tpu.memory_space<vmem>>[vector<16xi32>], vector<16xf32>,
        %gather3A_144 = tpu.vector_load_idx %arg9[%get3A_45] : memref<53248xi32, #tpu.memory_space<vmem>>[vector<16xi32>], vector<16xi32>,
        %gt3A = arith.cmpf ogt, %select_n3A_141, %gather3A_143 : vector<16xf32>
        %max3A_145 = arith.maximumf %select_n3A_141, %gather3A_143 : vector<16xf32>
        %select_n3A_146 = arith.select %gt3A, %select_n3A_142, %gather3A_144 : vector<16xi1>, vector<16xi32>
        %add3A_147 = arith.constant 1 : i32
        %add3A_148 = vector.broadcast %add3A_147 : i32 to vector<16xi32>
        %add3A_149 = arith.addi %iota3A, %add3A_148 : vector<16xi32>
        %min3A = arith.constant 15 : i32
        %min3A_150 = vector.broadcast %min3A : i32 to vector<16xi32>
        %min3A_151 = arith.minsi %add3A_149, %min3A_150 : vector<16xi32>
        %reshape3A_152 = vector.shape_cast %min3A_151 : vector<16xi32> to vector<16x1xi32>
        %gather3A_153 = vector.shape_cast %reshape3A_152 : vector<16x1xi32> to vector<16xi32>
        %gather3A_154 = tpu.dynamic_gather %get3A_45[%gather3A_153] in [0] : vector<16xi32>, vector<16xi32> -> vector<16xi32>
        %ne3A = arith.cmpi ne, %gather3A_154, %get3A_45 : vector<16xi32>
        %eq3A_155 = arith.constant 15 : i32
        %eq3A_156 = vector.broadcast %eq3A_155 : i32 to vector<16xi32>
        %eq3A_157 = arith.cmpi eq, %iota3A, %eq3A_156 : vector<16xi32>
        %or3A = arith.ori %ne3A, %eq3A_157 : vector<16xi1>
        tpu.vector_store_idx %arg8[%get3A_45], %max3A_145 masked %or3A : memref<53248xf32, #tpu.memory_space<vmem>>[vector<16xi32>], vector<16xf32>, vector<16xi1>
        tpu.vector_store_idx %arg9[%get3A_45], %select_n3A_146 masked %or3A : memref<53248xi32, #tpu.memory_space<vmem>>[vector<16xi32>], vector<16xi32>, vector<16xi1>
      }
    }
    "tpu.region"() ({
      %run_scoped3A = tpu.sem_alloc : memref<!tpu.dma_semaphore, #tpu.memory_space<semaphore_mem>>
      %dma_start3A = arith.constant 0 : i32
      %dma_start3A_24 = tpu.memref_slice %arg4[%add3A, %dma_start3A] : memref<32x53248xf32, #tpu.memory_space<hbm>> -> memref<1x53248xf32, #tpu.memory_space<hbm>>
      %dma_start3A_25 = tpu.memref_squeeze %dma_start3A_24 : memref<1x53248xf32, #tpu.memory_space<hbm>> -> memref<53248xf32, #tpu.memory_space<hbm>>
      %dma_start3A_26 = arith.constant 0 : i32
      %dma_start3A_27 = tpu.memref_slice %arg4[%add3A, %dma_start3A_26] : memref<32x53248xf32, #tpu.memory_space<hbm>> -> memref<1x53248xf32, #tpu.memory_space<hbm>>
      %dma_start3A_28 = tpu.memref_squeeze %dma_start3A_27 : memref<1x53248xf32, #tpu.memory_space<hbm>> -> memref<53248xf32, #tpu.memory_space<hbm>>
      tpu.enqueue_dma source(%arg8 : memref<53248xf32, #tpu.memory_space<vmem>>) target(%dma_start3A_28 : memref<53248xf32, #tpu.memory_space<hbm>>) target_semaphore(%run_scoped3A : memref<!tpu.dma_semaphore, #tpu.memory_space<semaphore_mem>>)
      %dma_wait3A = arith.constant 0 : i32
      %dma_wait3A_29 = tpu.memref_slice %arg4[%add3A, %dma_wait3A] : memref<32x53248xf32, #tpu.memory_space<hbm>> -> memref<1x53248xf32, #tpu.memory_space<hbm>>
      %dma_wait3A_30 = tpu.memref_squeeze %dma_wait3A_29 : memref<1x53248xf32, #tpu.memory_space<hbm>> -> memref<53248xf32, #tpu.memory_space<hbm>>
      %dma_wait3A_31 = arith.constant 0 : i32
      %dma_wait3A_32 = tpu.memref_slice %arg4[%add3A, %dma_wait3A_31] : memref<32x53248xf32, #tpu.memory_space<hbm>> -> memref<1x53248xf32, #tpu.memory_space<hbm>>
      %dma_wait3A_33 = tpu.memref_squeeze %dma_wait3A_32 : memref<1x53248xf32, #tpu.memory_space<hbm>> -> memref<53248xf32, #tpu.memory_space<hbm>>
      tpu.wait_dma2 semaphore(%run_scoped3A : memref<!tpu.dma_semaphore, #tpu.memory_space<semaphore_mem>>) src(%arg8 : memref<53248xf32, #tpu.memory_space<vmem>>) dst(%dma_wait3A_33 : memref<53248xf32, #tpu.memory_space<hbm>>)
      tpu.yield
    }) : () -> ()
    "tpu.region"() ({
      %run_scoped3A = tpu.sem_alloc : memref<!tpu.dma_semaphore, #tpu.memory_space<semaphore_mem>>
      %dma_start3A = arith.constant 0 : i32
      %dma_start3A_24 = tpu.memref_slice %arg5[%add3A, %dma_start3A] : memref<32x53248xi32, #tpu.memory_space<hbm>> -> memref<1x53248xi32, #tpu.memory_space<hbm>>
      %dma_start3A_25 = tpu.memref_squeeze %dma_start3A_24 : memref<1x53248xi32, #tpu.memory_space<hbm>> -> memref<53248xi32, #tpu.memory_space<hbm>>
      %dma_start3A_26 = arith.constant 0 : i32
      %dma_start3A_27 = tpu.memref_slice %arg5[%add3A, %dma_start3A_26] : memref<32x53248xi32, #tpu.memory_space<hbm>> -> memref<1x53248xi32, #tpu.memory_space<hbm>>
      %dma_start3A_28 = tpu.memref_squeeze %dma_start3A_27 : memref<1x53248xi32, #tpu.memory_space<hbm>> -> memref<53248xi32, #tpu.memory_space<hbm>>
      tpu.enqueue_dma source(%arg9 : memref<53248xi32, #tpu.memory_space<vmem>>) target(%dma_start3A_28 : memref<53248xi32, #tpu.memory_space<hbm>>) target_semaphore(%run_scoped3A : memref<!tpu.dma_semaphore, #tpu.memory_space<semaphore_mem>>)
      %dma_wait3A = arith.constant 0 : i32
      %dma_wait3A_29 = tpu.memref_slice %arg5[%add3A, %dma_wait3A] : memref<32x53248xi32, #tpu.memory_space<hbm>> -> memref<1x53248xi32, #tpu.memory_space<hbm>>
      %dma_wait3A_30 = tpu.memref_squeeze %dma_wait3A_29 : memref<1x53248xi32, #tpu.memory_space<hbm>> -> memref<53248xi32, #tpu.memory_space<hbm>>
      %dma_wait3A_31 = arith.constant 0 : i32
      %dma_wait3A_32 = tpu.memref_slice %arg5[%add3A, %dma_wait3A_31] : memref<32x53248xi32, #tpu.memory_space<hbm>> -> memref<1x53248xi32, #tpu.memory_space<hbm>>
      %dma_wait3A_33 = tpu.memref_squeeze %dma_wait3A_32 : memref<1x53248xi32, #tpu.memory_space<hbm>> -> memref<53248xi32, #tpu.memory_space<hbm>>
      tpu.wait_dma2 semaphore(%run_scoped3A : memref<!tpu.dma_semaphore, #tpu.memory_space<semaphore_mem>>) src(%arg9 : memref<53248xi32, #tpu.memory_space<vmem>>) dst(%dma_wait3A_33 : memref<53248xi32, #tpu.memory_space<hbm>>)
      tpu.yield
    }) : () -> ()
    return
  }
}

module attributes {stable_mosaic.version = 14 : i64} {
  func.func @_tc_body(%arg0: i32, %arg1: memref<32x128xf32, #tpu.memory_space<vmem>>, %arg2: memref<32x32x128xf32, #tpu.memory_space<vmem>>, %arg3: memref<32x32x128xi32, #tpu.memory_space<vmem>>, %arg4: memref<32x128xf32, #tpu.memory_space<vmem>>, %arg5: memref<32x128xi32, #tpu.memory_space<vmem>>) attributes {dimension_semantics = [#tpu.dimension_semantics<arbitrary>], iteration_bounds = array<i64: 391>, scalar_prefetch = 0 : i64, scratch_operands = 0 : i64, tpu.core_type = #tpu.core_type<tc>, window_params = [{transform_indices = @transform_0, window_bounds = array<i64: 32, 128>}, {transform_indices = @transform_1, window_bounds = array<i64: 32, 32, 128>}, {transform_indices = @transform_2, window_bounds = array<i64: 32, 32, 128>}, {transform_indices = @transform_3, window_bounds = array<i64: 32, 128>}, {transform_indices = @transform_4, window_bounds = array<i64: 32, 128>}]} {
    %get3A = arith.constant 0 : index
    %get3A_0 = arith.constant 0 : index
    %get3A_1 = vector.load %arg1[%get3A, %get3A_0] : memref<32x128xf32, #tpu.memory_space<vmem>>, vector<32x128xf32>
    %get3A_2 = arith.constant 0 : index
    %get3A_3 = arith.constant 0 : index
    %get3A_4 = arith.constant 0 : index
    %get3A_5 = vector.load %arg2[%get3A_2, %get3A_3, %get3A_4] : memref<32x32x128xf32, #tpu.memory_space<vmem>>, vector<1x32x128xf32>
    %get3A_6 = vector.shape_cast %get3A_5 : vector<1x32x128xf32> to vector<32x128xf32>
    %get3A_7 = arith.constant 0 : index
    %get3A_8 = arith.constant 0 : index
    %get3A_9 = arith.constant 0 : index
    %get3A_10 = vector.load %arg3[%get3A_7, %get3A_8, %get3A_9] : memref<32x32x128xi32, #tpu.memory_space<vmem>>, vector<1x32x128xi32>
    %get3A_11 = vector.shape_cast %get3A_10 : vector<1x32x128xi32> to vector<32x128xi32>
    %get3A_12 = arith.constant 1 : index
    %get3A_13 = arith.constant 0 : index
    %get3A_14 = arith.constant 0 : index
    %get3A_15 = vector.load %arg2[%get3A_12, %get3A_13, %get3A_14] : memref<32x32x128xf32, #tpu.memory_space<vmem>>, vector<1x32x128xf32>
    %get3A_16 = vector.shape_cast %get3A_15 : vector<1x32x128xf32> to vector<32x128xf32>
    %gt3A = arith.cmpf ogt, %get3A_16, %get3A_6 : vector<32x128xf32>
    %select_n3A = arith.select %gt3A, %get3A_16, %get3A_6 : vector<32x128xi1>, vector<32x128xf32>
    %get3A_17 = arith.constant 1 : index
    %get3A_18 = arith.constant 0 : index
    %get3A_19 = arith.constant 0 : index
    %get3A_20 = vector.load %arg3[%get3A_17, %get3A_18, %get3A_19] : memref<32x32x128xi32, #tpu.memory_space<vmem>>, vector<1x32x128xi32>
    %get3A_21 = vector.shape_cast %get3A_20 : vector<1x32x128xi32> to vector<32x128xi32>
    %select_n3A_22 = arith.select %gt3A, %get3A_21, %get3A_11 : vector<32x128xi1>, vector<32x128xi32>
    %get3A_23 = arith.constant 2 : index
    %get3A_24 = arith.constant 0 : index
    %get3A_25 = arith.constant 0 : index
    %get3A_26 = vector.load %arg2[%get3A_23, %get3A_24, %get3A_25] : memref<32x32x128xf32, #tpu.memory_space<vmem>>, vector<1x32x128xf32>
    %get3A_27 = vector.shape_cast %get3A_26 : vector<1x32x128xf32> to vector<32x128xf32>
    %gt3A_28 = arith.cmpf ogt, %get3A_27, %select_n3A : vector<32x128xf32>
    %select_n3A_29 = arith.select %gt3A_28, %get3A_27, %select_n3A : vector<32x128xi1>, vector<32x128xf32>
    %get3A_30 = arith.constant 2 : index
    %get3A_31 = arith.constant 0 : index
    %get3A_32 = arith.constant 0 : index
    %get3A_33 = vector.load %arg3[%get3A_30, %get3A_31, %get3A_32] : memref<32x32x128xi32, #tpu.memory_space<vmem>>, vector<1x32x128xi32>
    %get3A_34 = vector.shape_cast %get3A_33 : vector<1x32x128xi32> to vector<32x128xi32>
    %select_n3A_35 = arith.select %gt3A_28, %get3A_34, %select_n3A_22 : vector<32x128xi1>, vector<32x128xi32>
    %get3A_36 = arith.constant 3 : index
    %get3A_37 = arith.constant 0 : index
    %get3A_38 = arith.constant 0 : index
    %get3A_39 = vector.load %arg2[%get3A_36, %get3A_37, %get3A_38] : memref<32x32x128xf32, #tpu.memory_space<vmem>>, vector<1x32x128xf32>
    %get3A_40 = vector.shape_cast %get3A_39 : vector<1x32x128xf32> to vector<32x128xf32>
    %gt3A_41 = arith.cmpf ogt, %get3A_40, %select_n3A_29 : vector<32x128xf32>
    %select_n3A_42 = arith.select %gt3A_41, %get3A_40, %select_n3A_29 : vector<32x128xi1>, vector<32x128xf32>
    %get3A_43 = arith.constant 3 : index
    %get3A_44 = arith.constant 0 : index
    %get3A_45 = arith.constant 0 : index
    %get3A_46 = vector.load %arg3[%get3A_43, %get3A_44, %get3A_45] : memref<32x32x128xi32, #tpu.memory_space<vmem>>, vector<1x32x128xi32>
    %get3A_47 = vector.shape_cast %get3A_46 : vector<1x32x128xi32> to vector<32x128xi32>
    %select_n3A_48 = arith.select %gt3A_41, %get3A_47, %select_n3A_35 : vector<32x128xi1>, vector<32x128xi32>
    %get3A_49 = arith.constant 4 : index
    %get3A_50 = arith.constant 0 : index
    %get3A_51 = arith.constant 0 : index
    %get3A_52 = vector.load %arg2[%get3A_49, %get3A_50, %get3A_51] : memref<32x32x128xf32, #tpu.memory_space<vmem>>, vector<1x32x128xf32>
    %get3A_53 = vector.shape_cast %get3A_52 : vector<1x32x128xf32> to vector<32x128xf32>
    %gt3A_54 = arith.cmpf ogt, %get3A_53, %select_n3A_42 : vector<32x128xf32>
    %select_n3A_55 = arith.select %gt3A_54, %get3A_53, %select_n3A_42 : vector<32x128xi1>, vector<32x128xf32>
    %get3A_56 = arith.constant 4 : index
    %get3A_57 = arith.constant 0 : index
    %get3A_58 = arith.constant 0 : index
    %get3A_59 = vector.load %arg3[%get3A_56, %get3A_57, %get3A_58] : memref<32x32x128xi32, #tpu.memory_space<vmem>>, vector<1x32x128xi32>
    %get3A_60 = vector.shape_cast %get3A_59 : vector<1x32x128xi32> to vector<32x128xi32>
    %select_n3A_61 = arith.select %gt3A_54, %get3A_60, %select_n3A_48 : vector<32x128xi1>, vector<32x128xi32>
    %get3A_62 = arith.constant 5 : index
    %get3A_63 = arith.constant 0 : index
    %get3A_64 = arith.constant 0 : index
    %get3A_65 = vector.load %arg2[%get3A_62, %get3A_63, %get3A_64] : memref<32x32x128xf32, #tpu.memory_space<vmem>>, vector<1x32x128xf32>
    %get3A_66 = vector.shape_cast %get3A_65 : vector<1x32x128xf32> to vector<32x128xf32>
    %gt3A_67 = arith.cmpf ogt, %get3A_66, %select_n3A_55 : vector<32x128xf32>
    %select_n3A_68 = arith.select %gt3A_67, %get3A_66, %select_n3A_55 : vector<32x128xi1>, vector<32x128xf32>
    %get3A_69 = arith.constant 5 : index
    %get3A_70 = arith.constant 0 : index
    %get3A_71 = arith.constant 0 : index
    %get3A_72 = vector.load %arg3[%get3A_69, %get3A_70, %get3A_71] : memref<32x32x128xi32, #tpu.memory_space<vmem>>, vector<1x32x128xi32>
    %get3A_73 = vector.shape_cast %get3A_72 : vector<1x32x128xi32> to vector<32x128xi32>
    %select_n3A_74 = arith.select %gt3A_67, %get3A_73, %select_n3A_61 : vector<32x128xi1>, vector<32x128xi32>
    %get3A_75 = arith.constant 6 : index
    %get3A_76 = arith.constant 0 : index
    %get3A_77 = arith.constant 0 : index
    %get3A_78 = vector.load %arg2[%get3A_75, %get3A_76, %get3A_77] : memref<32x32x128xf32, #tpu.memory_space<vmem>>, vector<1x32x128xf32>
    %get3A_79 = vector.shape_cast %get3A_78 : vector<1x32x128xf32> to vector<32x128xf32>
    %gt3A_80 = arith.cmpf ogt, %get3A_79, %select_n3A_68 : vector<32x128xf32>
    %select_n3A_81 = arith.select %gt3A_80, %get3A_79, %select_n3A_68 : vector<32x128xi1>, vector<32x128xf32>
    %get3A_82 = arith.constant 6 : index
    %get3A_83 = arith.constant 0 : index
    %get3A_84 = arith.constant 0 : index
    %get3A_85 = vector.load %arg3[%get3A_82, %get3A_83, %get3A_84] : memref<32x32x128xi32, #tpu.memory_space<vmem>>, vector<1x32x128xi32>
    %get3A_86 = vector.shape_cast %get3A_85 : vector<1x32x128xi32> to vector<32x128xi32>
    %select_n3A_87 = arith.select %gt3A_80, %get3A_86, %select_n3A_74 : vector<32x128xi1>, vector<32x128xi32>
    %get3A_88 = arith.constant 7 : index
    %get3A_89 = arith.constant 0 : index
    %get3A_90 = arith.constant 0 : index
    %get3A_91 = vector.load %arg2[%get3A_88, %get3A_89, %get3A_90] : memref<32x32x128xf32, #tpu.memory_space<vmem>>, vector<1x32x128xf32>
    %get3A_92 = vector.shape_cast %get3A_91 : vector<1x32x128xf32> to vector<32x128xf32>
    %gt3A_93 = arith.cmpf ogt, %get3A_92, %select_n3A_81 : vector<32x128xf32>
    %select_n3A_94 = arith.select %gt3A_93, %get3A_92, %select_n3A_81 : vector<32x128xi1>, vector<32x128xf32>
    %get3A_95 = arith.constant 7 : index
    %get3A_96 = arith.constant 0 : index
    %get3A_97 = arith.constant 0 : index
    %get3A_98 = vector.load %arg3[%get3A_95, %get3A_96, %get3A_97] : memref<32x32x128xi32, #tpu.memory_space<vmem>>, vector<1x32x128xi32>
    %get3A_99 = vector.shape_cast %get3A_98 : vector<1x32x128xi32> to vector<32x128xi32>
    %select_n3A_100 = arith.select %gt3A_93, %get3A_99, %select_n3A_87 : vector<32x128xi1>, vector<32x128xi32>
    %get3A_101 = arith.constant 8 : index
    %get3A_102 = arith.constant 0 : index
    %get3A_103 = arith.constant 0 : index
    %get3A_104 = vector.load %arg2[%get3A_101, %get3A_102, %get3A_103] : memref<32x32x128xf32, #tpu.memory_space<vmem>>, vector<1x32x128xf32>
    %get3A_105 = vector.shape_cast %get3A_104 : vector<1x32x128xf32> to vector<32x128xf32>
    %gt3A_106 = arith.cmpf ogt, %get3A_105, %select_n3A_94 : vector<32x128xf32>
    %select_n3A_107 = arith.select %gt3A_106, %get3A_105, %select_n3A_94 : vector<32x128xi1>, vector<32x128xf32>
    %get3A_108 = arith.constant 8 : index
    %get3A_109 = arith.constant 0 : index
    %get3A_110 = arith.constant 0 : index
    %get3A_111 = vector.load %arg3[%get3A_108, %get3A_109, %get3A_110] : memref<32x32x128xi32, #tpu.memory_space<vmem>>, vector<1x32x128xi32>
    %get3A_112 = vector.shape_cast %get3A_111 : vector<1x32x128xi32> to vector<32x128xi32>
    %select_n3A_113 = arith.select %gt3A_106, %get3A_112, %select_n3A_100 : vector<32x128xi1>, vector<32x128xi32>
    %get3A_114 = arith.constant 9 : index
    %get3A_115 = arith.constant 0 : index
    %get3A_116 = arith.constant 0 : index
    %get3A_117 = vector.load %arg2[%get3A_114, %get3A_115, %get3A_116] : memref<32x32x128xf32, #tpu.memory_space<vmem>>, vector<1x32x128xf32>
    %get3A_118 = vector.shape_cast %get3A_117 : vector<1x32x128xf32> to vector<32x128xf32>
    %gt3A_119 = arith.cmpf ogt, %get3A_118, %select_n3A_107 : vector<32x128xf32>
    %select_n3A_120 = arith.select %gt3A_119, %get3A_118, %select_n3A_107 : vector<32x128xi1>, vector<32x128xf32>
    %get3A_121 = arith.constant 9 : index
    %get3A_122 = arith.constant 0 : index
    %get3A_123 = arith.constant 0 : index
    %get3A_124 = vector.load %arg3[%get3A_121, %get3A_122, %get3A_123] : memref<32x32x128xi32, #tpu.memory_space<vmem>>, vector<1x32x128xi32>
    %get3A_125 = vector.shape_cast %get3A_124 : vector<1x32x128xi32> to vector<32x128xi32>
    %select_n3A_126 = arith.select %gt3A_119, %get3A_125, %select_n3A_113 : vector<32x128xi1>, vector<32x128xi32>
    %get3A_127 = arith.constant 10 : index
    %get3A_128 = arith.constant 0 : index
    %get3A_129 = arith.constant 0 : index
    %get3A_130 = vector.load %arg2[%get3A_127, %get3A_128, %get3A_129] : memref<32x32x128xf32, #tpu.memory_space<vmem>>, vector<1x32x128xf32>
    %get3A_131 = vector.shape_cast %get3A_130 : vector<1x32x128xf32> to vector<32x128xf32>
    %gt3A_132 = arith.cmpf ogt, %get3A_131, %select_n3A_120 : vector<32x128xf32>
    %select_n3A_133 = arith.select %gt3A_132, %get3A_131, %select_n3A_120 : vector<32x128xi1>, vector<32x128xf32>
    %get3A_134 = arith.constant 10 : index
    %get3A_135 = arith.constant 0 : index
    %get3A_136 = arith.constant 0 : index
    %get3A_137 = vector.load %arg3[%get3A_134, %get3A_135, %get3A_136] : memref<32x32x128xi32, #tpu.memory_space<vmem>>, vector<1x32x128xi32>
    %get3A_138 = vector.shape_cast %get3A_137 : vector<1x32x128xi32> to vector<32x128xi32>
    %select_n3A_139 = arith.select %gt3A_132, %get3A_138, %select_n3A_126 : vector<32x128xi1>, vector<32x128xi32>
    %get3A_140 = arith.constant 11 : index
    %get3A_141 = arith.constant 0 : index
    %get3A_142 = arith.constant 0 : index
    %get3A_143 = vector.load %arg2[%get3A_140, %get3A_141, %get3A_142] : memref<32x32x128xf32, #tpu.memory_space<vmem>>, vector<1x32x128xf32>
    %get3A_144 = vector.shape_cast %get3A_143 : vector<1x32x128xf32> to vector<32x128xf32>
    %gt3A_145 = arith.cmpf ogt, %get3A_144, %select_n3A_133 : vector<32x128xf32>
    %select_n3A_146 = arith.select %gt3A_145, %get3A_144, %select_n3A_133 : vector<32x128xi1>, vector<32x128xf32>
    %get3A_147 = arith.constant 11 : index
    %get3A_148 = arith.constant 0 : index
    %get3A_149 = arith.constant 0 : index
    %get3A_150 = vector.load %arg3[%get3A_147, %get3A_148, %get3A_149] : memref<32x32x128xi32, #tpu.memory_space<vmem>>, vector<1x32x128xi32>
    %get3A_151 = vector.shape_cast %get3A_150 : vector<1x32x128xi32> to vector<32x128xi32>
    %select_n3A_152 = arith.select %gt3A_145, %get3A_151, %select_n3A_139 : vector<32x128xi1>, vector<32x128xi32>
    %get3A_153 = arith.constant 12 : index
    %get3A_154 = arith.constant 0 : index
    %get3A_155 = arith.constant 0 : index
    %get3A_156 = vector.load %arg2[%get3A_153, %get3A_154, %get3A_155] : memref<32x32x128xf32, #tpu.memory_space<vmem>>, vector<1x32x128xf32>
    %get3A_157 = vector.shape_cast %get3A_156 : vector<1x32x128xf32> to vector<32x128xf32>
    %gt3A_158 = arith.cmpf ogt, %get3A_157, %select_n3A_146 : vector<32x128xf32>
    %select_n3A_159 = arith.select %gt3A_158, %get3A_157, %select_n3A_146 : vector<32x128xi1>, vector<32x128xf32>
    %get3A_160 = arith.constant 12 : index
    %get3A_161 = arith.constant 0 : index
    %get3A_162 = arith.constant 0 : index
    %get3A_163 = vector.load %arg3[%get3A_160, %get3A_161, %get3A_162] : memref<32x32x128xi32, #tpu.memory_space<vmem>>, vector<1x32x128xi32>
    %get3A_164 = vector.shape_cast %get3A_163 : vector<1x32x128xi32> to vector<32x128xi32>
    %select_n3A_165 = arith.select %gt3A_158, %get3A_164, %select_n3A_152 : vector<32x128xi1>, vector<32x128xi32>
    %get3A_166 = arith.constant 13 : index
    %get3A_167 = arith.constant 0 : index
    %get3A_168 = arith.constant 0 : index
    %get3A_169 = vector.load %arg2[%get3A_166, %get3A_167, %get3A_168] : memref<32x32x128xf32, #tpu.memory_space<vmem>>, vector<1x32x128xf32>
    %get3A_170 = vector.shape_cast %get3A_169 : vector<1x32x128xf32> to vector<32x128xf32>
    %gt3A_171 = arith.cmpf ogt, %get3A_170, %select_n3A_159 : vector<32x128xf32>
    %select_n3A_172 = arith.select %gt3A_171, %get3A_170, %select_n3A_159 : vector<32x128xi1>, vector<32x128xf32>
    %get3A_173 = arith.constant 13 : index
    %get3A_174 = arith.constant 0 : index
    %get3A_175 = arith.constant 0 : index
    %get3A_176 = vector.load %arg3[%get3A_173, %get3A_174, %get3A_175] : memref<32x32x128xi32, #tpu.memory_space<vmem>>, vector<1x32x128xi32>
    %get3A_177 = vector.shape_cast %get3A_176 : vector<1x32x128xi32> to vector<32x128xi32>
    %select_n3A_178 = arith.select %gt3A_171, %get3A_177, %select_n3A_165 : vector<32x128xi1>, vector<32x128xi32>
    %get3A_179 = arith.constant 14 : index
    %get3A_180 = arith.constant 0 : index
    %get3A_181 = arith.constant 0 : index
    %get3A_182 = vector.load %arg2[%get3A_179, %get3A_180, %get3A_181] : memref<32x32x128xf32, #tpu.memory_space<vmem>>, vector<1x32x128xf32>
    %get3A_183 = vector.shape_cast %get3A_182 : vector<1x32x128xf32> to vector<32x128xf32>
    %gt3A_184 = arith.cmpf ogt, %get3A_183, %select_n3A_172 : vector<32x128xf32>
    %select_n3A_185 = arith.select %gt3A_184, %get3A_183, %select_n3A_172 : vector<32x128xi1>, vector<32x128xf32>
    %get3A_186 = arith.constant 14 : index
    %get3A_187 = arith.constant 0 : index
    %get3A_188 = arith.constant 0 : index
    %get3A_189 = vector.load %arg3[%get3A_186, %get3A_187, %get3A_188] : memref<32x32x128xi32, #tpu.memory_space<vmem>>, vector<1x32x128xi32>
    %get3A_190 = vector.shape_cast %get3A_189 : vector<1x32x128xi32> to vector<32x128xi32>
    %select_n3A_191 = arith.select %gt3A_184, %get3A_190, %select_n3A_178 : vector<32x128xi1>, vector<32x128xi32>
    %get3A_192 = arith.constant 15 : index
    %get3A_193 = arith.constant 0 : index
    %get3A_194 = arith.constant 0 : index
    %get3A_195 = vector.load %arg2[%get3A_192, %get3A_193, %get3A_194] : memref<32x32x128xf32, #tpu.memory_space<vmem>>, vector<1x32x128xf32>
    %get3A_196 = vector.shape_cast %get3A_195 : vector<1x32x128xf32> to vector<32x128xf32>
    %gt3A_197 = arith.cmpf ogt, %get3A_196, %select_n3A_185 : vector<32x128xf32>
    %select_n3A_198 = arith.select %gt3A_197, %get3A_196, %select_n3A_185 : vector<32x128xi1>, vector<32x128xf32>
    %get3A_199 = arith.constant 15 : index
    %get3A_200 = arith.constant 0 : index
    %get3A_201 = arith.constant 0 : index
    %get3A_202 = vector.load %arg3[%get3A_199, %get3A_200, %get3A_201] : memref<32x32x128xi32, #tpu.memory_space<vmem>>, vector<1x32x128xi32>
    %get3A_203 = vector.shape_cast %get3A_202 : vector<1x32x128xi32> to vector<32x128xi32>
    %select_n3A_204 = arith.select %gt3A_197, %get3A_203, %select_n3A_191 : vector<32x128xi1>, vector<32x128xi32>
    %get3A_205 = arith.constant 16 : index
    %get3A_206 = arith.constant 0 : index
    %get3A_207 = arith.constant 0 : index
    %get3A_208 = vector.load %arg2[%get3A_205, %get3A_206, %get3A_207] : memref<32x32x128xf32, #tpu.memory_space<vmem>>, vector<1x32x128xf32>
    %get3A_209 = vector.shape_cast %get3A_208 : vector<1x32x128xf32> to vector<32x128xf32>
    %gt3A_210 = arith.cmpf ogt, %get3A_209, %select_n3A_198 : vector<32x128xf32>
    %select_n3A_211 = arith.select %gt3A_210, %get3A_209, %select_n3A_198 : vector<32x128xi1>, vector<32x128xf32>
    %get3A_212 = arith.constant 16 : index
    %get3A_213 = arith.constant 0 : index
    %get3A_214 = arith.constant 0 : index
    %get3A_215 = vector.load %arg3[%get3A_212, %get3A_213, %get3A_214] : memref<32x32x128xi32, #tpu.memory_space<vmem>>, vector<1x32x128xi32>
    %get3A_216 = vector.shape_cast %get3A_215 : vector<1x32x128xi32> to vector<32x128xi32>
    %select_n3A_217 = arith.select %gt3A_210, %get3A_216, %select_n3A_204 : vector<32x128xi1>, vector<32x128xi32>
    %get3A_218 = arith.constant 17 : index
    %get3A_219 = arith.constant 0 : index
    %get3A_220 = arith.constant 0 : index
    %get3A_221 = vector.load %arg2[%get3A_218, %get3A_219, %get3A_220] : memref<32x32x128xf32, #tpu.memory_space<vmem>>, vector<1x32x128xf32>
    %get3A_222 = vector.shape_cast %get3A_221 : vector<1x32x128xf32> to vector<32x128xf32>
    %gt3A_223 = arith.cmpf ogt, %get3A_222, %select_n3A_211 : vector<32x128xf32>
    %select_n3A_224 = arith.select %gt3A_223, %get3A_222, %select_n3A_211 : vector<32x128xi1>, vector<32x128xf32>
    %get3A_225 = arith.constant 17 : index
    %get3A_226 = arith.constant 0 : index
    %get3A_227 = arith.constant 0 : index
    %get3A_228 = vector.load %arg3[%get3A_225, %get3A_226, %get3A_227] : memref<32x32x128xi32, #tpu.memory_space<vmem>>, vector<1x32x128xi32>
    %get3A_229 = vector.shape_cast %get3A_228 : vector<1x32x128xi32> to vector<32x128xi32>
    %select_n3A_230 = arith.select %gt3A_223, %get3A_229, %select_n3A_217 : vector<32x128xi1>, vector<32x128xi32>
    %get3A_231 = arith.constant 18 : index
    %get3A_232 = arith.constant 0 : index
    %get3A_233 = arith.constant 0 : index
    %get3A_234 = vector.load %arg2[%get3A_231, %get3A_232, %get3A_233] : memref<32x32x128xf32, #tpu.memory_space<vmem>>, vector<1x32x128xf32>
    %get3A_235 = vector.shape_cast %get3A_234 : vector<1x32x128xf32> to vector<32x128xf32>
    %gt3A_236 = arith.cmpf ogt, %get3A_235, %select_n3A_224 : vector<32x128xf32>
    %select_n3A_237 = arith.select %gt3A_236, %get3A_235, %select_n3A_224 : vector<32x128xi1>, vector<32x128xf32>
    %get3A_238 = arith.constant 18 : index
    %get3A_239 = arith.constant 0 : index
    %get3A_240 = arith.constant 0 : index
    %get3A_241 = vector.load %arg3[%get3A_238, %get3A_239, %get3A_240] : memref<32x32x128xi32, #tpu.memory_space<vmem>>, vector<1x32x128xi32>
    %get3A_242 = vector.shape_cast %get3A_241 : vector<1x32x128xi32> to vector<32x128xi32>
    %select_n3A_243 = arith.select %gt3A_236, %get3A_242, %select_n3A_230 : vector<32x128xi1>, vector<32x128xi32>
    %get3A_244 = arith.constant 19 : index
    %get3A_245 = arith.constant 0 : index
    %get3A_246 = arith.constant 0 : index
    %get3A_247 = vector.load %arg2[%get3A_244, %get3A_245, %get3A_246] : memref<32x32x128xf32, #tpu.memory_space<vmem>>, vector<1x32x128xf32>
    %get3A_248 = vector.shape_cast %get3A_247 : vector<1x32x128xf32> to vector<32x128xf32>
    %gt3A_249 = arith.cmpf ogt, %get3A_248, %select_n3A_237 : vector<32x128xf32>
    %select_n3A_250 = arith.select %gt3A_249, %get3A_248, %select_n3A_237 : vector<32x128xi1>, vector<32x128xf32>
    %get3A_251 = arith.constant 19 : index
    %get3A_252 = arith.constant 0 : index
    %get3A_253 = arith.constant 0 : index
    %get3A_254 = vector.load %arg3[%get3A_251, %get3A_252, %get3A_253] : memref<32x32x128xi32, #tpu.memory_space<vmem>>, vector<1x32x128xi32>
    %get3A_255 = vector.shape_cast %get3A_254 : vector<1x32x128xi32> to vector<32x128xi32>
    %select_n3A_256 = arith.select %gt3A_249, %get3A_255, %select_n3A_243 : vector<32x128xi1>, vector<32x128xi32>
    %get3A_257 = arith.constant 20 : index
    %get3A_258 = arith.constant 0 : index
    %get3A_259 = arith.constant 0 : index
    %get3A_260 = vector.load %arg2[%get3A_257, %get3A_258, %get3A_259] : memref<32x32x128xf32, #tpu.memory_space<vmem>>, vector<1x32x128xf32>
    %get3A_261 = vector.shape_cast %get3A_260 : vector<1x32x128xf32> to vector<32x128xf32>
    %gt3A_262 = arith.cmpf ogt, %get3A_261, %select_n3A_250 : vector<32x128xf32>
    %select_n3A_263 = arith.select %gt3A_262, %get3A_261, %select_n3A_250 : vector<32x128xi1>, vector<32x128xf32>
    %get3A_264 = arith.constant 20 : index
    %get3A_265 = arith.constant 0 : index
    %get3A_266 = arith.constant 0 : index
    %get3A_267 = vector.load %arg3[%get3A_264, %get3A_265, %get3A_266] : memref<32x32x128xi32, #tpu.memory_space<vmem>>, vector<1x32x128xi32>
    %get3A_268 = vector.shape_cast %get3A_267 : vector<1x32x128xi32> to vector<32x128xi32>
    %select_n3A_269 = arith.select %gt3A_262, %get3A_268, %select_n3A_256 : vector<32x128xi1>, vector<32x128xi32>
    %get3A_270 = arith.constant 21 : index
    %get3A_271 = arith.constant 0 : index
    %get3A_272 = arith.constant 0 : index
    %get3A_273 = vector.load %arg2[%get3A_270, %get3A_271, %get3A_272] : memref<32x32x128xf32, #tpu.memory_space<vmem>>, vector<1x32x128xf32>
    %get3A_274 = vector.shape_cast %get3A_273 : vector<1x32x128xf32> to vector<32x128xf32>
    %gt3A_275 = arith.cmpf ogt, %get3A_274, %select_n3A_263 : vector<32x128xf32>
    %select_n3A_276 = arith.select %gt3A_275, %get3A_274, %select_n3A_263 : vector<32x128xi1>, vector<32x128xf32>
    %get3A_277 = arith.constant 21 : index
    %get3A_278 = arith.constant 0 : index
    %get3A_279 = arith.constant 0 : index
    %get3A_280 = vector.load %arg3[%get3A_277, %get3A_278, %get3A_279] : memref<32x32x128xi32, #tpu.memory_space<vmem>>, vector<1x32x128xi32>
    %get3A_281 = vector.shape_cast %get3A_280 : vector<1x32x128xi32> to vector<32x128xi32>
    %select_n3A_282 = arith.select %gt3A_275, %get3A_281, %select_n3A_269 : vector<32x128xi1>, vector<32x128xi32>
    %get3A_283 = arith.constant 22 : index
    %get3A_284 = arith.constant 0 : index
    %get3A_285 = arith.constant 0 : index
    %get3A_286 = vector.load %arg2[%get3A_283, %get3A_284, %get3A_285] : memref<32x32x128xf32, #tpu.memory_space<vmem>>, vector<1x32x128xf32>
    %get3A_287 = vector.shape_cast %get3A_286 : vector<1x32x128xf32> to vector<32x128xf32>
    %gt3A_288 = arith.cmpf ogt, %get3A_287, %select_n3A_276 : vector<32x128xf32>
    %select_n3A_289 = arith.select %gt3A_288, %get3A_287, %select_n3A_276 : vector<32x128xi1>, vector<32x128xf32>
    %get3A_290 = arith.constant 22 : index
    %get3A_291 = arith.constant 0 : index
    %get3A_292 = arith.constant 0 : index
    %get3A_293 = vector.load %arg3[%get3A_290, %get3A_291, %get3A_292] : memref<32x32x128xi32, #tpu.memory_space<vmem>>, vector<1x32x128xi32>
    %get3A_294 = vector.shape_cast %get3A_293 : vector<1x32x128xi32> to vector<32x128xi32>
    %select_n3A_295 = arith.select %gt3A_288, %get3A_294, %select_n3A_282 : vector<32x128xi1>, vector<32x128xi32>
    %get3A_296 = arith.constant 23 : index
    %get3A_297 = arith.constant 0 : index
    %get3A_298 = arith.constant 0 : index
    %get3A_299 = vector.load %arg2[%get3A_296, %get3A_297, %get3A_298] : memref<32x32x128xf32, #tpu.memory_space<vmem>>, vector<1x32x128xf32>
    %get3A_300 = vector.shape_cast %get3A_299 : vector<1x32x128xf32> to vector<32x128xf32>
    %gt3A_301 = arith.cmpf ogt, %get3A_300, %select_n3A_289 : vector<32x128xf32>
    %select_n3A_302 = arith.select %gt3A_301, %get3A_300, %select_n3A_289 : vector<32x128xi1>, vector<32x128xf32>
    %get3A_303 = arith.constant 23 : index
    %get3A_304 = arith.constant 0 : index
    %get3A_305 = arith.constant 0 : index
    %get3A_306 = vector.load %arg3[%get3A_303, %get3A_304, %get3A_305] : memref<32x32x128xi32, #tpu.memory_space<vmem>>, vector<1x32x128xi32>
    %get3A_307 = vector.shape_cast %get3A_306 : vector<1x32x128xi32> to vector<32x128xi32>
    %select_n3A_308 = arith.select %gt3A_301, %get3A_307, %select_n3A_295 : vector<32x128xi1>, vector<32x128xi32>
    %get3A_309 = arith.constant 24 : index
    %get3A_310 = arith.constant 0 : index
    %get3A_311 = arith.constant 0 : index
    %get3A_312 = vector.load %arg2[%get3A_309, %get3A_310, %get3A_311] : memref<32x32x128xf32, #tpu.memory_space<vmem>>, vector<1x32x128xf32>
    %get3A_313 = vector.shape_cast %get3A_312 : vector<1x32x128xf32> to vector<32x128xf32>
    %gt3A_314 = arith.cmpf ogt, %get3A_313, %select_n3A_302 : vector<32x128xf32>
    %select_n3A_315 = arith.select %gt3A_314, %get3A_313, %select_n3A_302 : vector<32x128xi1>, vector<32x128xf32>
    %get3A_316 = arith.constant 24 : index
    %get3A_317 = arith.constant 0 : index
    %get3A_318 = arith.constant 0 : index
    %get3A_319 = vector.load %arg3[%get3A_316, %get3A_317, %get3A_318] : memref<32x32x128xi32, #tpu.memory_space<vmem>>, vector<1x32x128xi32>
    %get3A_320 = vector.shape_cast %get3A_319 : vector<1x32x128xi32> to vector<32x128xi32>
    %select_n3A_321 = arith.select %gt3A_314, %get3A_320, %select_n3A_308 : vector<32x128xi1>, vector<32x128xi32>
    %get3A_322 = arith.constant 25 : index
    %get3A_323 = arith.constant 0 : index
    %get3A_324 = arith.constant 0 : index
    %get3A_325 = vector.load %arg2[%get3A_322, %get3A_323, %get3A_324] : memref<32x32x128xf32, #tpu.memory_space<vmem>>, vector<1x32x128xf32>
    %get3A_326 = vector.shape_cast %get3A_325 : vector<1x32x128xf32> to vector<32x128xf32>
    %gt3A_327 = arith.cmpf ogt, %get3A_326, %select_n3A_315 : vector<32x128xf32>
    %select_n3A_328 = arith.select %gt3A_327, %get3A_326, %select_n3A_315 : vector<32x128xi1>, vector<32x128xf32>
    %get3A_329 = arith.constant 25 : index
    %get3A_330 = arith.constant 0 : index
    %get3A_331 = arith.constant 0 : index
    %get3A_332 = vector.load %arg3[%get3A_329, %get3A_330, %get3A_331] : memref<32x32x128xi32, #tpu.memory_space<vmem>>, vector<1x32x128xi32>
    %get3A_333 = vector.shape_cast %get3A_332 : vector<1x32x128xi32> to vector<32x128xi32>
    %select_n3A_334 = arith.select %gt3A_327, %get3A_333, %select_n3A_321 : vector<32x128xi1>, vector<32x128xi32>
    %get3A_335 = arith.constant 26 : index
    %get3A_336 = arith.constant 0 : index
    %get3A_337 = arith.constant 0 : index
    %get3A_338 = vector.load %arg2[%get3A_335, %get3A_336, %get3A_337] : memref<32x32x128xf32, #tpu.memory_space<vmem>>, vector<1x32x128xf32>
    %get3A_339 = vector.shape_cast %get3A_338 : vector<1x32x128xf32> to vector<32x128xf32>
    %gt3A_340 = arith.cmpf ogt, %get3A_339, %select_n3A_328 : vector<32x128xf32>
    %select_n3A_341 = arith.select %gt3A_340, %get3A_339, %select_n3A_328 : vector<32x128xi1>, vector<32x128xf32>
    %get3A_342 = arith.constant 26 : index
    %get3A_343 = arith.constant 0 : index
    %get3A_344 = arith.constant 0 : index
    %get3A_345 = vector.load %arg3[%get3A_342, %get3A_343, %get3A_344] : memref<32x32x128xi32, #tpu.memory_space<vmem>>, vector<1x32x128xi32>
    %get3A_346 = vector.shape_cast %get3A_345 : vector<1x32x128xi32> to vector<32x128xi32>
    %select_n3A_347 = arith.select %gt3A_340, %get3A_346, %select_n3A_334 : vector<32x128xi1>, vector<32x128xi32>
    %get3A_348 = arith.constant 27 : index
    %get3A_349 = arith.constant 0 : index
    %get3A_350 = arith.constant 0 : index
    %get3A_351 = vector.load %arg2[%get3A_348, %get3A_349, %get3A_350] : memref<32x32x128xf32, #tpu.memory_space<vmem>>, vector<1x32x128xf32>
    %get3A_352 = vector.shape_cast %get3A_351 : vector<1x32x128xf32> to vector<32x128xf32>
    %gt3A_353 = arith.cmpf ogt, %get3A_352, %select_n3A_341 : vector<32x128xf32>
    %select_n3A_354 = arith.select %gt3A_353, %get3A_352, %select_n3A_341 : vector<32x128xi1>, vector<32x128xf32>
    %get3A_355 = arith.constant 27 : index
    %get3A_356 = arith.constant 0 : index
    %get3A_357 = arith.constant 0 : index
    %get3A_358 = vector.load %arg3[%get3A_355, %get3A_356, %get3A_357] : memref<32x32x128xi32, #tpu.memory_space<vmem>>, vector<1x32x128xi32>
    %get3A_359 = vector.shape_cast %get3A_358 : vector<1x32x128xi32> to vector<32x128xi32>
    %select_n3A_360 = arith.select %gt3A_353, %get3A_359, %select_n3A_347 : vector<32x128xi1>, vector<32x128xi32>
    %get3A_361 = arith.constant 28 : index
    %get3A_362 = arith.constant 0 : index
    %get3A_363 = arith.constant 0 : index
    %get3A_364 = vector.load %arg2[%get3A_361, %get3A_362, %get3A_363] : memref<32x32x128xf32, #tpu.memory_space<vmem>>, vector<1x32x128xf32>
    %get3A_365 = vector.shape_cast %get3A_364 : vector<1x32x128xf32> to vector<32x128xf32>
    %gt3A_366 = arith.cmpf ogt, %get3A_365, %select_n3A_354 : vector<32x128xf32>
    %select_n3A_367 = arith.select %gt3A_366, %get3A_365, %select_n3A_354 : vector<32x128xi1>, vector<32x128xf32>
    %get3A_368 = arith.constant 28 : index
    %get3A_369 = arith.constant 0 : index
    %get3A_370 = arith.constant 0 : index
    %get3A_371 = vector.load %arg3[%get3A_368, %get3A_369, %get3A_370] : memref<32x32x128xi32, #tpu.memory_space<vmem>>, vector<1x32x128xi32>
    %get3A_372 = vector.shape_cast %get3A_371 : vector<1x32x128xi32> to vector<32x128xi32>
    %select_n3A_373 = arith.select %gt3A_366, %get3A_372, %select_n3A_360 : vector<32x128xi1>, vector<32x128xi32>
    %get3A_374 = arith.constant 29 : index
    %get3A_375 = arith.constant 0 : index
    %get3A_376 = arith.constant 0 : index
    %get3A_377 = vector.load %arg2[%get3A_374, %get3A_375, %get3A_376] : memref<32x32x128xf32, #tpu.memory_space<vmem>>, vector<1x32x128xf32>
    %get3A_378 = vector.shape_cast %get3A_377 : vector<1x32x128xf32> to vector<32x128xf32>
    %gt3A_379 = arith.cmpf ogt, %get3A_378, %select_n3A_367 : vector<32x128xf32>
    %select_n3A_380 = arith.select %gt3A_379, %get3A_378, %select_n3A_367 : vector<32x128xi1>, vector<32x128xf32>
    %get3A_381 = arith.constant 29 : index
    %get3A_382 = arith.constant 0 : index
    %get3A_383 = arith.constant 0 : index
    %get3A_384 = vector.load %arg3[%get3A_381, %get3A_382, %get3A_383] : memref<32x32x128xi32, #tpu.memory_space<vmem>>, vector<1x32x128xi32>
    %get3A_385 = vector.shape_cast %get3A_384 : vector<1x32x128xi32> to vector<32x128xi32>
    %select_n3A_386 = arith.select %gt3A_379, %get3A_385, %select_n3A_373 : vector<32x128xi1>, vector<32x128xi32>
    %get3A_387 = arith.constant 30 : index
    %get3A_388 = arith.constant 0 : index
    %get3A_389 = arith.constant 0 : index
    %get3A_390 = vector.load %arg2[%get3A_387, %get3A_388, %get3A_389] : memref<32x32x128xf32, #tpu.memory_space<vmem>>, vector<1x32x128xf32>
    %get3A_391 = vector.shape_cast %get3A_390 : vector<1x32x128xf32> to vector<32x128xf32>
    %gt3A_392 = arith.cmpf ogt, %get3A_391, %select_n3A_380 : vector<32x128xf32>
    %select_n3A_393 = arith.select %gt3A_392, %get3A_391, %select_n3A_380 : vector<32x128xi1>, vector<32x128xf32>
    %get3A_394 = arith.constant 30 : index
    %get3A_395 = arith.constant 0 : index
    %get3A_396 = arith.constant 0 : index
    %get3A_397 = vector.load %arg3[%get3A_394, %get3A_395, %get3A_396] : memref<32x32x128xi32, #tpu.memory_space<vmem>>, vector<1x32x128xi32>
    %get3A_398 = vector.shape_cast %get3A_397 : vector<1x32x128xi32> to vector<32x128xi32>
    %select_n3A_399 = arith.select %gt3A_392, %get3A_398, %select_n3A_386 : vector<32x128xi1>, vector<32x128xi32>
    %get3A_400 = arith.constant 31 : index
    %get3A_401 = arith.constant 0 : index
    %get3A_402 = arith.constant 0 : index
    %get3A_403 = vector.load %arg2[%get3A_400, %get3A_401, %get3A_402] : memref<32x32x128xf32, #tpu.memory_space<vmem>>, vector<1x32x128xf32>
    %get3A_404 = vector.shape_cast %get3A_403 : vector<1x32x128xf32> to vector<32x128xf32>
    %gt3A_405 = arith.cmpf ogt, %get3A_404, %select_n3A_393 : vector<32x128xf32>
    %select_n3A_406 = arith.select %gt3A_405, %get3A_404, %select_n3A_393 : vector<32x128xi1>, vector<32x128xf32>
    %get3A_407 = arith.constant 31 : index
    %get3A_408 = arith.constant 0 : index
    %get3A_409 = arith.constant 0 : index
    %get3A_410 = vector.load %arg3[%get3A_407, %get3A_408, %get3A_409] : memref<32x32x128xi32, #tpu.memory_space<vmem>>, vector<1x32x128xi32>
    %get3A_411 = vector.shape_cast %get3A_410 : vector<1x32x128xi32> to vector<32x128xi32>
    %select_n3A_412 = arith.select %gt3A_405, %get3A_411, %select_n3A_399 : vector<32x128xi1>, vector<32x128xi32>
    %iota3A = tpu.iota {dimensions = array<i32: 0>} : vector<32x128xi32>
    %iota3A_413 = tpu.iota {dimensions = array<i32: 1>} : vector<32x128xi32>
    %mul3A = arith.constant 32 : i32
    %mul3A_414 = arith.muli %arg0, %mul3A : i32
    %add3A = vector.broadcast %mul3A_414 : i32 to vector<32x128xi32>
    %add3A_415 = arith.addi %add3A, %iota3A : vector<32x128xi32>
    %mul3A_416 = arith.constant 128 : i32
    %mul3A_417 = vector.broadcast %mul3A_416 : i32 to vector<32x128xi32>
    %mul3A_418 = arith.muli %add3A_415, %mul3A_417 : vector<32x128xi32>
    %add3A_419 = arith.addi %mul3A_418, %iota3A_413 : vector<32x128xi32>
    %lt3A = arith.constant 50000 : i32
    %lt3A_420 = vector.broadcast %lt3A : i32 to vector<32x128xi32>
    %lt3A_421 = arith.cmpi slt, %add3A_419, %lt3A_420 : vector<32x128xi32>
    %max3A = arith.maximumf %get3A_1, %select_n3A_406 : vector<32x128xf32>
    %select_n3A_422 = arith.select %lt3A_421, %max3A, %get3A_1 : vector<32x128xi1>, vector<32x128xf32>
    %swap3A = arith.constant 0 : index
    %swap3A_423 = arith.constant 0 : index
    %swap3A_424 = vector.load %arg4[%swap3A, %swap3A_423] : memref<32x128xf32, #tpu.memory_space<vmem>>, vector<32x128xf32>
    tpu.vector_store %arg4[%swap3A, %swap3A_423], %select_n3A_422 {strides = array<i32>} : memref<32x128xf32, #tpu.memory_space<vmem>>, vector<32x128xf32>,
    %ge3A = arith.cmpf oge, %select_n3A_406, %get3A_1 : vector<32x128xf32>
    %and3A = arith.andi %lt3A_421, %ge3A : vector<32x128xi1>
    %jit3A = arith.constant 1600000 : i32
    %broadcast_in_dim3A = vector.broadcast %jit3A : i32 to vector<32x128xi32>
    %select_n3A_425 = arith.select %and3A, %select_n3A_412, %broadcast_in_dim3A : vector<32x128xi1>, vector<32x128xi32>
    %swap3A_426 = arith.constant 0 : index
    %swap3A_427 = arith.constant 0 : index
    %swap3A_428 = vector.load %arg5[%swap3A_426, %swap3A_427] : memref<32x128xi32, #tpu.memory_space<vmem>>, vector<32x128xi32>
    tpu.vector_store %arg5[%swap3A_426, %swap3A_427], %select_n3A_425 {strides = array<i32>} : memref<32x128xi32, #tpu.memory_space<vmem>>, vector<32x128xi32>,
    return
  }
  func.func @transform_0(%arg0: i32) -> (i32, i32) {
    %c0_i32 = arith.constant 0 : i32
    %c0_i32_0 = arith.constant 0 : i32
    return %arg0, %c0_i32 : i32, i32
  }
  func.func @transform_1(%arg0: i32) -> (i32, i32, i32) {
    %min3A = arith.constant 12 : i32
    %min3A_0 = arith.minsi %arg0, %min3A : i32
    %c0_i32 = arith.constant 0 : i32
    %c0_i32_1 = arith.constant 0 : i32
    %c0_i32_2 = arith.constant 0 : i32
    return %c0_i32, %min3A_0, %c0_i32_1 : i32, i32, i32
  }
  func.func @transform_2(%arg0: i32) -> (i32, i32, i32) {
    %min3A = arith.constant 12 : i32
    %min3A_0 = arith.minsi %arg0, %min3A : i32
    %c0_i32 = arith.constant 0 : i32
    %c0_i32_1 = arith.constant 0 : i32
    %c0_i32_2 = arith.constant 0 : i32
    return %c0_i32, %min3A_0, %c0_i32_1 : i32, i32, i32
  }
  func.func @transform_3(%arg0: i32) -> (i32, i32) {
    %c0_i32 = arith.constant 0 : i32
    %c0_i32_0 = arith.constant 0 : i32
    return %arg0, %c0_i32 : i32, i32
  }
  func.func @transform_4(%arg0: i32) -> (i32, i32) {
    %c0_i32 = arith.constant 0 : i32
    %c0_i32_0 = arith.constant 0 : i32
    return %arg0, %c0_i32 : i32, i32
  }
}

</mosaic_0001>

<sc_bundles>
// kernel: kernel.4.cloned.1.call-start
scs
__scs_entry_jumppad:
0x0: {  	(pc) =	sbr.rel $0x88, $3  }
0x1: {  	(tag) =	ssettag $0x0;
	lr =	simm.s32 $0x1  }
0x2: {  	[smem:$0x3F9F] =	sst lr;
	_ =	strace $0xD0000000  }
0x3: {  	_ = 	snop  }
0x4: {  	_ = 	snop  }
0x5: {  	_ = 	snop  }
0x6: {  	_ = 	snop  }
0x7: {  	_ = 	snop  }
__scs_overlays_trampoline_lowered:
0x8: {  	[smem:$0x3FAE] =	sst s0  }
0x9: {  	[smem:$0x3FAF] =	sst s1  }
0xa: {  	[smem:$0x3FB0] =	sst s2  }
0xb: {  	[smem:$0x3FB1] =	sst s3  }
0xc: {  	[smem:$0x3FB2] =	sst s4  }
0xd: {  	[smem:$0x3FB3] =	sst s5  }
0xe: {  	[smem:$0x3FB4] =	sst s6  }
0xf: {  	[smem:$0x3FB5] =	sst s7  }
0x10: {  	[smem:$0x3FB6] =	sst s8  }
0x11: {  	[smem:$0x3FB7] =	sst s9;
	s0 =	simm.s32 @!p0 $0x0  }
0x12: {  	s1 =	sld [smem:$0x3F9D];
	s0 =	simm.s32 @p0 $0x1  }
0x13: {  	[smem:$0x3FB8] =	sst s0;
	s0 =	simm.s32 @!p1 $0x0  }
0x14: {  	s2 =	sld [smem:$0x3F9C];
	s0 =	simm.s32 @p1 $0x1  }
0x15: {  	[smem:$0x3FB9] =	sst s0;
	s0 =	simm.s32 @!p2 $0x0  }
0x16: {  	s3 =	sld [smem:$0x3FDB];
	s0 =	simm.s32 @p2 $0x1  }
0x17: {  	s4 =	simm.s32 $0x1BF5;
	[smem:$0x3FBB] =	sst s0  }
0x18: {  	s0 =	sld [smem:$0x3F9E];
	_ =	swait.ge [sflag:s4], $0x0  }
0x19: {  	s7 =	sld [smem:$0x3F9F]  }
0x1a: {  	s8 =	sadd.s32 $0xFFFFE003, lr  }
0x1b: {  	s9 =	sadd.s32 $0xFFFFFEF7, lr;
	s5 =	simm.s32 $0xFFFFFFFF;
	p2 =	slt.u32 s8, $0xFFFFF086  }
0x1c: {  	p1 =	slt.u32 s9, $0xF7A;
	s5 =	simm.s32 @!p2 $0x0  }
0x1d: {  	s5 =	simm.s32 @p1 $0x1;
	p0 =	seq.s32 s7, s2  }
0x1e: {  	s7 =	smul.u32 @!p0 $0xF7A, s2;
	p2 =	seq.s32 @!p0 s5, $0x0  }
0x1f: {  	s9 =	smul.u32 $0xF7A, s1;
	s8 =	simm.s32 @!p0 $0x1BF5;
	p2 =	por !p2, p0  }
0x20: {  	[sflag:s8] =	ssyncset.s32 @!p0 $0xFFFFF086;
	s6 =	sadd.s32 @!p0 s3, s7;
	s7 =	simm.s32 @!p0 $0x108  }
0x21: {  	s3 =	sadd.s32 s3, s9;
	s6 =	sadd.s32 @!p0 $0x88, s6;
	s7 =	simm.s32 @p2 $0x1082  }
0x22: {  	[simem:s7], [sflag:s8] =	dma.local @!p0 [hbm:s6], $0xF7A  }
0x23: {  	s9 =	sor.u32 $0xD0000000, s2;
	s6 =	simm.s32 $0x108;
	_ =	swait.ge @!p0 [sflag:s8], $0x0  }
0x24: {  	s3 =	sadd.s32 $0x88, s3;
	s6 =	simm.s32 @!p1 $0x1082;
	[sflag:s4] =	ssyncset.s32 $0xFFFFF086  }
0x25: {  	[simem:s6], [sflag:s4] =	dma.local [hbm:s3], $0xF7A  }
0x26: {  	[smem:$0x3F9F] =	sst s1;
	(tag) =	ssettag s2;
	_ =	strace s9  }
0x27: {  	s1 =	sld [smem:$0x3FAF]  }
0x28: {  	s2 =	sld [smem:$0x3FB0]  }
0x29: {  	s4 =	sld [smem:$0x3FB2]  }
0x2a: {  	p0 =	seq.s32 s5, $0x0;
	s5 =	sld [smem:$0x3FB3]  }
0x2b: {  	s6 =	sld [smem:$0x3FB4]  }
0x2c: {  	s7 =	sld [smem:$0x3FB5]  }
0x2d: {  	s3 =	simm.s32 $0x108;
	s8 =	sld [smem:$0x3FB6]  }
0x2e: {  	s3 =	simm.s32 @!p0 $0x1082;
	s9 =	sld [smem:$0x3FB7]  }
0x2f: {  	lr =	sadd.s32 s0, s3;
	s0 =	sld [smem:$0x3FAE]  }
0x30: {  	s3 =	sld [smem:$0x3FB1]  }
0x31: {  	[smem:$0x3FBA] =	sst s10  }
0x32: {  	s10 =	sld [smem:$0x3FB8];
	_ =	sdelay $0x3  }
0x33: {  	p0 =	seq.s32 s10, $0x1;
	s10 =	sld [smem:$0x3FBA];
	_ =	sdelay $0x3  }
0x34: {  	[smem:$0x3FBA] =	sst s10  }
0x35: {  	s10 =	sld [smem:$0x3FB9];
	_ =	sdelay $0x3  }
0x36: {  	p1 =	seq.s32 s10, $0x1;
	s10 =	sld [smem:$0x3FBA];
	_ =	sdelay $0x3  }
0x37: {  	[smem:$0x3FBA] =	sst s10  }
0x38: {  	s10 =	sld [smem:$0x3FBB]  }
0x39: {  	_ = 	snop;
	(pc) =	sbr.ind lr, $3  }
0x3a: {  	_ = 	snop  }
0x3b: {  	_ = 	snop  }
0x3c: {  	p2 =	seq.s32 s10, $0x1;
	s10 =	sld [smem:$0x3FBA]  }
0x3d: {  	_ =	shalt  }
0x3e: {  	_ =	shalt  }
0x3f: {  	_ =	shalt  }
0x40: {  	_ =	shalt  }
0x41: {  	_ =	shalt  }
0x42: {  	_ =	shalt  }
0x43: {  	_ =	shalt  }
0x44: {  	_ =	shalt  }
0x45: {  	_ =	shalt  }
0x46: {  	_ =	shalt  }
0x47: {  	_ =	shalt  }
0x48: {  	_ =	shalt  }
0x49: {  	_ =	shalt  }
0x4a: {  	_ =	shalt  }
0x4b: {  	_ =	shalt  }
0x4c: {  	_ =	shalt  }
0x4d: {  	_ =	shalt  }
0x4e: {  	_ =	shalt  }
0x4f: {  	_ =	shalt  }
0x50: {  	_ =	shalt  }
0x51: {  	_ =	shalt  }
0x52: {  	_ =	shalt  }
0x53: {  	_ =	shalt  }
0x54: {  	_ =	shalt  }
0x55: {  	_ =	shalt  }
0x56: {  	_ =	shalt  }
0x57: {  	_ =	shalt  }
0x58: {  	_ =	shalt  }
0x59: {  	_ =	shalt  }
0x5a: {  	_ =	shalt  }
0x5b: {  	_ =	shalt  }
0x5c: {  	_ =	shalt  }
0x5d: {  	_ =	shalt  }
0x5e: {  	_ =	shalt  }
0x5f: {  	_ =	shalt  }
0x60: {  	_ =	shalt  }
0x61: {  	_ =	shalt  }
0x62: {  	_ =	shalt  }
0x63: {  	_ =	shalt  }
0x64: {  	_ =	shalt  }
0x65: {  	_ =	shalt  }
0x66: {  	_ =	shalt  }
0x67: {  	_ =	shalt  }
0x68: {  	_ =	shalt  }
0x69: {  	_ =	shalt  }
0x6a: {  	_ =	shalt  }
0x6b: {  	_ =	shalt  }
0x6c: {  	_ =	shalt  }
0x6d: {  	_ =	shalt  }
0x6e: {  	_ =	shalt  }
0x6f: {  	_ =	shalt  }
0x70: {  	_ =	shalt  }
0x71: {  	_ =	shalt  }
0x72: {  	_ =	shalt  }
0x73: {  	_ =	shalt  }
0x74: {  	_ =	shalt  }
0x75: {  	_ =	shalt  }
0x76: {  	_ =	shalt  }
0x77: {  	_ =	shalt  }
0x78: {  	_ =	shalt  }
0x79: {  	_ =	shalt  }
0x7a: {  	_ =	shalt  }
0x7b: {  	_ =	shalt  }
0x7c: {  	_ =	shalt  }
0x7d: {  	_ =	shalt  }
0x7e: {  	_ =	shalt  }
0x7f: {  	_ =	shalt  }
0x80: {  	_ =	shalt  }
0x81: {  	_ =	shalt  }
0x82: {  	_ =	shalt  }
0x83: {  	_ =	shalt  }
0x84: {  	_ =	shalt  }
0x85: {  	_ =	shalt  }
0x86: {  	_ =	shalt  }
0x87: {  	_ =	shalt  }
.Lfunc_end0:
.L_simem_size_0:
called_computation_lowered:
.L_overlay_start_0:
0x88: {  	s2 =	sld [smem:$0x3FD9]  }
0x89: {  	s3 =	sld [smem:$0x3FFE];
	_ =	sdelay $0x1  }
0x8a: {  	s1 =	srdreg.scid  }
0x8b: {  	s0 =	sand.u32 $0x1, s1  }
0x8c: {  	s14 =	sshll.u32 s0, $0xA;
	s2 =	sadd.s32 s3, s2  }
0x8d: {  	s2 =	sadd.s32 s2, s14  }
0x8e: {  	[smem:$0x3FC6] =	sst s2  }
0x8f: {  	_ = 	snop  }
0x90: {  	s2 =	sld [smem:$0x3FD0];
	_ =	sdelay $0x2  }
0x91: {  	s4 =	simm.s32 $0xA;
	s5 =	simm.s32 $0x10;
	s15 =	sld [smem:$0x3FC9]  }
0x92: {  	[smem:s5], [sflag:s4] =	dma.local [hbm:s2], $0x1  }
0x93: {  	_ =	swait.eq [sflag:s4], $0x1  }
0x94: {  	[sflag:s4] =	ssyncset.done $0x0  }
0x95: {  	s16 =	sld [smem:$0x10];
	[sflag:s4] =	ssyncadd.s32 $0xFFFFFFFF  }
0x96: {  	s17 =	sld [smem:$0x11];
	(tm) =	ssettm $0x1  }
0x97: {  	s18 =	sld [smem:$0x3FFB];
	_ =	sdelay $0x3  }
0x98: {  	_ =	strace s18  }
0x99: {  	s5 =	sld [smem:$0x3FFC];
	_ =	sdelay $0x3  }
0x9a: {  	_ =	strace s5  }
0x9b: {  	s5 =	sld [smem:$0x3FFD];
	_ =	sdelay $0x3  }
0x9c: {  	_ =	strace s5  }
0x9d: {  	_ =	strace $0x8FFFFFFF  }
0x9e: {  	s19 =	sld [smem:$0x3FDB];
	_ =	sdelay $0x1  }
0x9f: {  	s6 =	simm.s32 $_scs_section_size  }
0xa0: {  	s7 =	simm.s32 $_size__tile_overlayer_lowered;
	s8 =	simm.s32 $_tile_overlayer_lowered  }
0xa1: {  	s22 =	simm.s32 $0x1BFF;
	s21 =	sshll.u32 s8, $0x1;
	s5 =	sadd.s32 s6, s19  }
0xa2: {  	s9 =	simm.s32 $0x0;
	s20 =	sshll.u32 s7, $0x1;
	s7 =	sadd.s32 s21, s5  }
0xa3: {  	[timem:s9], [sflag:s22] =	dma.local [hbm:s7], s20  }
0xa4: {  	_ =	swait.ge [sflag:s22], s20  }
0xa5: {  	s6 =	ssub.s32 $0x0, s20;
	[sflag:s22] =	ssyncset.done $0x0  }
0xa6: {  	[sflag:s22] =	ssyncadd.s32 s6;
	_ =	sdelay $0x1  }
0xa7: {  	s23 =	simm.s32 $0x1B8B  }
0xa8: {  	_ =	swait.ge [sflag:s23], $0x1  }
0xa9: {  	[sflag:s23] =	ssyncset.done $0x0  }
0xaa: {  	s25 =	simm.s32 $0x1B8E;
	s24 =	sld [smem:$0x3FFE];
	[sflag:s23] =	ssyncadd.s32 $0xFFFFFFFF  }
0xab: {  	s26 =	simm.s32 $execute0_lowered;
	[smem:$0x3FD2] =	sst s25  }
0xac: {  	s7 =	sshll.u32 s26, $0x1;
	_ =	strace $0x80000046;
	[dreg:$0x1] =	wrdreg $0xFFFFFFFF  }
0xad: {  	s28 =	simm.s32 $_size_execute0_lowered;
	s5 =	sadd.s32 s5, s7;
	[dreg:$0x0] =	wrdreg $0x0  }
0xae: {  	s7 =	sshll.u32 s28, $0x1;
	[dreg:$0x2] =	wrdreg s5  }
0xaf: {  	[dreg:$0x3] =	wrdreg s7  }
0xb0: {  	[dreg:$0x4] =	wrdreg $0xC0  }
0xb1: {  	_ =	task [dreg:s9], $0x5FFFF  }
0xb2: {  	[dreg:$0x1] =	wrdreg $0xFFFFFFFF  }
0xb3: {  	[dreg:$0x0] =	wrdreg $0x60  }
0xb4: {  	[dreg:$0x2] =	wrdreg s15  }
0xb5: {  	[dreg:$0x3] =	wrdreg s16  }
0xb6: {  	[dreg:$0x4] =	wrdreg s17  }
0xb7: {  	[dreg:$0x5] =	wrdreg s24  }
0xb8: {  	[dreg:$0x6] =	wrdreg $0x9  }
0xb9: {  	_ =	task.clear_ibuf [dreg:s9], $0x7FFFF;
	_ =	strace $0x90000046  }
0xba: {  	s29 =	simm.s32 $0x9;
	_ =	strace $0x80000048  }
0xbb: {  	_ =	swait.ge [sflag:s29], $0x1  }
0xbc: {  	[sflag:s29] =	ssyncadd.s32 $0xFFFFFFFF  }
0xbd: {  	_ =	strace $0x90000048  }
0xbe: {  	_ =	sfence  }
0xbf: {  	s30 =	sld [smem:$0x0];
	_ =	sdelay $0x2  }
0xc0: {  	s31 =	sshll.u32 s1, $0xD;
	s1 =	sshrl.u32 s1, $0x2  }
0xc1: {  	s3 =	sand.u32 $0x4000, s31;
	s1 =	sadd.s32 s1, s30  }
0xc2: {  	s0 =	sor.u32 s3, s0;
	s1 =	sshll.u32 s1, $0x11  }
0xc3: {  	s0 =	sor.u32 s1, s0  }
0xc4: {  	s0 =	sadd.s32 $0x8F2B, s0  }
0xc5: {  	[sflag:s0] =	ssyncadd.remote.s32 $0x1  }
0xc6: {  	_ =	sfence.sel $0xFFFF  }
0xc7: {  	[dreg:$0x0] =	wrdreg $0xFFFFFFFF;
	(pc) =	sbr.abs _section_cstart, $3  }
0xc8: {  	[dreg:$0x1] =	wrdreg $0xFFFFFFFF  }
0xc9: {  	_ =	task.clear_ibuf [dreg:s9], $0x2FFFF;
	_ =	strace $0x9FFFFFFF  }
0xca: {  	(tm) =	ssettm $0x7FFFFFFF  }
0xcb: {  	_ =	shalt  }
tec
execute0_lowered:
.L_overlay_start_1:
0x0: {  	(tag) =	ssettag $0x1  }
0x1: {  	v0 =	vimm.s32 $0xEDCBA987;
	v1 =	vimm.s32 $0x65432100;
	v3 =	vimm.s32 $0xDCBA9876  }
0x2: {  	v4 =	vimm.s32 $0x54321000;
	v5 =	vimm.s32 $0xE40000;
	v0 =	vunpack.c.l.s4.s8 v0  }
0x3: {  	s0 =	rddreg [dreg:$0x0];
	v6 =	vimm.s32 $0xBA987654;
	v8 =	vimm.s32 $0x87654321;
	v1 =	vunpack.c.l.s4.s8 v1  }
0x4: {  	s1 =	rddreg [dreg:$0x1];
	vm0 =	vcmask $0x3F30;
	vm1 =	vcmask $0x3F08;
	v2 =	vunpack.c.0.s8.s32 v0  }
0x5: {  	s6 =	rddreg [dreg:$0x2];
	s3 =	srdreg.scid;
	v3 =	vunpack.c.l.s4.s8 v3;
	v5 =	vunpack.c.l.s2.s4 v5;
	v1 =	vunpack.c.0.s8.s32 v1  }
0x6: {  	s2 =	stileid.u32;
	s5 =	rddreg [dreg:$0x3];
	vm2 =	vcmask $0x3F10;
	v4 =	vunpack.c.l.s4.s8 v4;
	v2 =	vand.u32 $0xF, v2  }
0x7: {  	s14 =	simm.s32 $0x80;
	s7 =	sand.u32 $0x1, s3;
	s4 =	sshll.u32 s2, $0x1;
	v5 =	vunpack.c.l.s4.s8 v5;
	v1 =	vcombine.low v1, v2;
	v2 =	vunpack.c.0.s8.s32 v3  }
0x8: {  	vm3 =	vcmask $0x3F20;
	s15 =	simm.s32 $0x400;
	s9 =	sshrl.u32 s2, $0x2;
	v8 =	vunpack.c.l.s4.s8 v8;
	s8 =	sor.u32 s7, s4;
	v4 =	vunpack.c.0.s8.s32 v4  }
0x9: {  	s3 =	rddreg [dreg:$0x4];
	s9 =	smul.u32 $0x68000, s9;
	s10 =	sshll.u32 s8, $0x7;
	v5 =	vunpack.c.0.s8.s32 v5;
	v3 =	vunpack.c.l.s4.s8 v6;
	v2 =	vand.u32 $0xF, v2  }
0xa: {  	s11 =	smul.u32 $0x186A0, s2;
	s4 =	simm.s32 $0x0;
	s10 =	sand.u32 $0x380, s10;
	v6 =	vimm.s32 $0x32100000;
	v2 =	vcombine.low v4, v2;
	v4 =	vimm.s32 $0x7060504  }
0xb: {  	s30 =	ssub.s32 $0x2, s7;
	s13 =	smul.u32 $0xC350, s7;
	s9 =	sor.u32 s9, s10;
	v6 =	vunpack.c.l.s4.s8 v6;
	v7 =	vunpack.c.0.s8.s32 v4;
	v4 =	vimm.s32 $0xFFEDCBA9  }
0xc: {  	vm4 =	vcmask $0x3F3C;
	[smem:$0x7FF] =	sst s4;
	s31 =	sshrl.u32 s30, $0x1;
	s9 =	sshrl.u32 s9, $0x3;
	v3 =	vunpack.c.0.s8.s32 v3;
	v9 =	vunpack.c.l.s4.s8 v4  }
0xd: {  	v8 =	vunpack.c.0.s8.s32 v8;
	_ =	strace $0x80000047;
	s10 =	ssub.s32 s30, s31;
	v5 =	vand.u32 $0x3, v5;
	s12 =	sadd.s32 s9, s5;
	v6 =	vunpack.c.0.s8.s32 v6  }
0xe: {  	s5 =	smul.u32 $0xC350, s8;
	s6 =	sadd.s32 s6, s9;
	s8 =	smax.u32 s10, $0x1;
	v3 =	vand.u32 $0xF, v3;
	v5 =	vsel vm0, v7, v5;
	v7 =	vunpack.c.0.s8.s32 v9  }
0xf: {  	v0 =	vimm.f32 $-Inf;
	s9 =	sadd.s32 s13, s11;
	s10 =	simm.s32 $0x1;
	s11 =	simm.s32 $0x800;
	v3 =	vcombine.low v6, v3;
	v4 =	vimm.s32 $0x186A00  }
0x10: {  	s13 =	simm.s32 $0xE000;
	s7 =	sadd.s32 $0x1600, s12;
	s12 =	simm.s32 $0x1000;
	v6 =	vlaneseq.u32;
	vm0 =	vcmask $0x3F04;
	v7 =	vcombine.low v8, v7  }
.LBB2_1:
0x11: {  	s16 =	simm.s32 $0x40;
	s17 =	simm.s32 $0x0  }
.LBB2_2:
0x12: {  	p0 =	sne.s32 s16, $0x33FC0;
	[tilespmem:s17+$0x1000] =	vst v0;
	s18 =	smov.u32 s16;
	s16 =	sadd.s32 $0x40, s16  }
.Ltmp0:
0x13: {  	[tilespmem:s17+$0xE000] =	vst v4;
	(pc) =	sbr.rel @p0 .LBB2_2-.Ltmp0, $2  }
0x14: {  	_ =	sdelay $0x2  }
0x15: {  	s17 =	sshra.s32 s18, $0x2  }
0x16: {  	[tilespmem:s17+$0x1000] =	vst v0  }
0x17: {  	s16 =	simm.s32 $0x0;
	[tilespmem:s17+$0xE000] =	vst v4;
	s17 =	smov.u32 s9;
	s18 =	simm.s32 $0x0  }
.LBB2_4:
0x18: {  	s19 =	smul.u32 $0x7D0, s18;
	_ =	sdelay $0x1  }
0x19: {  	s19 =	sadd.s32 s5, s19  }
0x1a: {  	s19 =	sshrl.u32 s19, $0x3  }
0x1b: {  	s20 =	sadd.s32 s0, s19  }
0x1c: {  	[tilespmem:s16], [sflag:$0x1] =	stream.linear.gather [hbm4b:s20+s16], $0x7D0, $0x38;
	[tilespmem:$0x1B000] =	vst v63  }
0x1d: {  	_ =	swait.ge [sflag:s10], $0x7D0  }
0x1e: {  	[sflag:s10] =	ssyncset.done $0x0  }
0x1f: {  	s19 =	sadd.s32 s1, s19;
	[sflag:s10] =	ssyncadd.s32 $0xFFFFF830  }
0x20: {  	[tilespmem:s11], [sflag:$0x1] =	stream.linear.gather [hbm4b:s19+s16], $0x7D0, $0x38;
	[tilespmem:$0x1B000] =	vst v63  }
0x21: {  	_ =	swait.ge [sflag:s10], $0x7D0  }
0x22: {  	[sflag:s10] =	ssyncset.done $0x0  }
0x23: {  	s31 =	simm.s32 $0x0;
	[sflag:s10] =	ssyncadd.s32 $0xFFFFF830  }
0x24: {  	v8 =	vld [tilespmem:s31+$0x800]  }
0x25: {  	v9 =	vld [tilespmem:s31+$0x0];
	_ =	sdelay $0x3  }
0x26: {  	v10 =	vperm.xlane v8, v1  }
0x27: {  	v11 =	vperm.xlane v9, v1  }
0x28: {  	vm5 =	veq.s32 v10, v8  }
0x29: {  	v13 =	vor.u32 s17, v6;
	v12 =	vmax.f32 v9, v11;
	vm5 =	vmand vm5, vm0  }
0x2a: {  	v14 =	vperm.xlane v8, v3;
	v10 =	vperm.xlane v8, v2;
	v12 =	vsel vm5, v12, v9  }
0x2b: {  	v60 =	vperm.xlane v8, v5;
	vm7 =	vge.f32 v11, v9;
	v9 =	vperm.xlane v12, v2  }
0x2c: {  	v11 =	vperm.xlane v13, v1;
	vm6 =	veq.s32 v10, v8;
	v10 =	vperm.xlane v8, v7  }
0x2d: {  	vm5 =	vmand vm7, vm5;
	vm6 =	vmand vm6, vm1;
	v59 =	vmax.f32 v12, v9  }
0x2e: {  	vm7 =	veq.s32 v14, v8;
	v11 =	vsel vm5, v11, v13;
	v14 =	vsel vm6, v59, v12  }
0x2f: {  	vm5 =	vge.f32 v9, v12;
	v9 =	vperm.xlane v11, v2;
	v61 =	vperm.xlane v14, v3  }
0x30: {  	vm7 =	vmand vm7, vm2;
	vm8 =	vne.s32 v10, v8;
	vm6 =	vmand vm5, vm6  }
0x31: {  	vm5 =	vmor vm8, vm4;
	v9 =	vsel vm6, v9, v11;
	v10 =	vmax.f32 v14, v61  }
0x32: {  	v11 =	vld.idx.msk [tilespmem:v8+s12+$0x0], $0xffff;
	v62 =	vperm.xlane v9, v3;
	vm6 =	vge.f32 v61, v14;
	v10 =	vsel vm7, v10, v14  }
0x33: {  	vm15 =	veq.s32 v60, v8;
	v63 =	vld.idx.msk [tilespmem:v8+s13+$0x0], $0xffff;
	vm6 =	vmand vm6, vm7;
	v14 =	vperm.xlane v10, v5  }
0x34: {  	v9 =	vsel vm6, v62, v9;
	vm6 =	vmand vm15, vm3  }
0x35: {  	v12 =	vperm.xlane v9, v5;
	vm7 =	vge.f32 v14, v10;
	v14 =	vmax.f32 v10, v14  }
0x36: {  	vm7 =	vmand vm7, vm6;
	v10 =	vsel vm6, v14, v10  }
0x37: {  	v9 =	vsel vm7, v12, v9;
	vm6 =	vgt.f32 v10, v11;
	v10 =	vmax.f32 v10, v11  }
0x38: {  	s22 =	simm.s32 $0x80;
	s20 =	simm.s32 $0x40;
	s19 =	smov.u32 s17;
	v9 =	vsel vm6, v9, v63;
	[tilespmem:v8+s12+$0x0] =	vst.idx.msk vm5, v10  }
.LBB2_5:
0x39: {  	s23 =	sshra.s32 s20, $0x2  }
0x3a: {  	[tilespmem:v8+s13+$0x0] =	vst.idx.msk vm5, v9;
	s19 =	sadd.s32 $0x10, s19;
	s20 =	smov.u32 s22;
	s21 =	sadd.s32 $0x40, s22  }
0x3b: {  	p0 =	sne.s32 s22, $0x1F00;
	v8 =	vld [tilespmem:s23+$0x800]  }
0x3c: {  	v9 =	vld [tilespmem:s23+$0x0];
	_ =	sdelay $0x3  }
0x3d: {  	v10 =	vperm.xlane v8, v1;
	v11 =	vperm.xlane v8, v2  }
0x3e: {  	v12 =	vor.u32 s19, v6;
	v14 =	vperm.xlane v8, v3;
	v13 =	vperm.xlane v9, v1  }
0x3f: {  	vm5 =	veq.s32 v10, v8;
	vm6 =	veq.s32 v11, v8;
	v10 =	vperm.xlane v8, v7  }
0x40: {  	vm5 =	vmand vm5, vm0;
	vm7 =	vge.f32 v13, v9;
	v11 =	vmax.f32 v9, v13  }
0x41: {  	vm7 =	vmand vm7, vm5;
	v9 =	vsel vm5, v11, v9;
	vm5 =	veq.s32 v14, v8  }
0x42: {  	v13 =	vperm.xlane v8, v5;
	vm8 =	vne.s32 v10, v8;
	v11 =	vperm.xlane v9, v2  }
0x43: {  	v10 =	vperm.xlane v12, v1  }
0x44: {  	vm6 =	vmand vm6, vm1;
	vm9 =	vge.f32 v11, v9;
	v11 =	vmax.f32 v9, v11  }
0x45: {  	v10 =	vsel vm7, v10, v12;
	vm7 =	vmand vm9, vm6;
	v9 =	vsel vm6, v11, v9  }
0x46: {  	v11 =	vperm.xlane v10, v2;
	vm6 =	veq.s32 v13, v8;
	v12 =	vperm.xlane v9, v3  }
0x47: {  	vm9 =	vmand vm5, vm2;
	vm5 =	vmor vm8, vm4  }
0x48: {  	v10 =	vsel vm7, v11, v10;
	vm7 =	vge.f32 v12, v9;
	v11 =	vmax.f32 v9, v12;
	v12 =	vld.idx.msk [tilespmem:v8+s12+$0x0], $0xffff  }
0x49: {  	v13 =	vperm.xlane v10, v3;
	vm7 =	vmand vm7, vm9;
	v9 =	vsel vm9, v11, v9;
	v11 =	vld.idx.msk [tilespmem:v8+s13+$0x0], $0xffff  }
0x4a: {  	v14 =	vperm.xlane v9, v5  }
.Ltmp1:
0x4b: {  	vm6 =	vmand vm6, vm3;
	v10 =	vsel vm7, v13, v10;
	(pc) =	sbr.rel @p0 .LBB2_5-.Ltmp1, $4  }
0x4c: {  	v13 =	vperm.xlane v10, v5;
	vm7 =	vge.f32 v14, v9;
	v14 =	vmax.f32 v9, v14  }
0x4d: {  	vm7 =	vmand vm7, vm6;
	v9 =	vsel vm6, v14, v9  }
0x4e: {  	v10 =	vsel vm7, v13, v10;
	vm6 =	vgt.f32 v9, v12;
	v12 =	vmax.f32 v9, v12  }
0x4f: {  	s22 =	smov.u32 s21;
	v9 =	vsel vm6, v10, v11;
	[tilespmem:v8+s12+$0x0] =	vst.idx.msk vm5, v12  }
0x50: {  	_ =	sdelay $0x4  }
0x51: {  	s20 =	sshra.s32 s20, $0x2;
	[tilespmem:v8+s13+$0x0] =	vst.idx.msk vm5, v9  }
0x52: {  	v8 =	vld [tilespmem:s20+$0x800]  }
0x53: {  	v9 =	vld [tilespmem:s20+$0x0];
	_ =	sdelay $0x3  }
0x54: {  	v10 =	vperm.xlane v8, v1  }
0x55: {  	s19 =	sadd.s32 $0x10, s19;
	v11 =	vperm.xlane v9, v1  }
0x56: {  	v13 =	vor.u32 s19, v6;
	vm5 =	veq.s32 v10, v8  }
0x57: {  	v55 =	vperm.xlane v13, v1;
	v12 =	vmax.f32 v9, v11;
	vm5 =	vmand vm5, vm0  }
0x58: {  	v52 =	vperm.xlane v8, v2;
	v14 =	vperm.xlane v8, v3;
	v12 =	vsel vm5, v12, v9  }
0x59: {  	v54 =	vperm.xlane v8, v7;
	v53 =	vperm.xlane v12, v2  }
0x5a: {  	v57 =	vperm.xlane v8, v5;
	vm6 =	veq.s32 v52, v8;
	vm7 =	vge.f32 v11, v9  }
0x5b: {  	vm6 =	vmand vm6, vm1;
	vm5 =	vmand vm7, vm5;
	v56 =	vmax.f32 v12, v53  }
0x5c: {  	vm7 =	veq.s32 v14, v8;
	v11 =	vsel vm5, v55, v13;
	v14 =	vsel vm6, v56, v12  }
0x5d: {  	v58 =	vperm.xlane v11, v2;
	vm5 =	vge.f32 v53, v12;
	v59 =	vperm.xlane v14, v3  }
0x5e: {  	vm8 =	vne.s32 v54, v8;
	vm5 =	vmand vm5, vm6;
	vm6 =	vmand vm7, vm2  }
0x5f: {  	vm7 =	vmor vm8, vm4;
	v9 =	vsel vm5, v58, v11;
	v60 =	vmax.f32 v14, v59  }
0x60: {  	v61 =	vld.idx.msk [tilespmem:v8+s12+$0x0], $0xffff;
	v62 =	vperm.xlane v9, v3;
	vm5 =	vge.f32 v59, v14;
	v10 =	vsel vm6, v60, v14  }
0x61: {  	s18 =	sadd.s32 $0x1, s18;
	vm15 =	veq.s32 v57, v8;
	v63 =	vld.idx.msk [tilespmem:v8+s13+$0x0], $0xffff;
	vm5 =	vmand vm5, vm6;
	v14 =	vperm.xlane v10, v5  }
0x62: {  	p0 =	sne.s32 s18, $0x19;
	v9 =	vsel vm5, v62, v9;
	vm5 =	vmand vm15, vm3  }
.Ltmp2:
0x63: {  	v12 =	vperm.xlane v9, v5;
	vm6 =	vge.f32 v14, v10;
	v14 =	vmax.f32 v10, v14;
	(pc) =	sbr.rel @p0 .LBB2_4-.Ltmp2, $4  }
0x64: {  	vm6 =	vmand vm6, vm5;
	v10 =	vsel vm5, v14, v10  }
0x65: {  	v9 =	vsel vm6, v12, v9;
	vm5 =	vgt.f32 v10, v61;
	v10 =	vmax.f32 v10, v61  }
0x66: {  	v9 =	vsel vm5, v9, v63;
	[tilespmem:v8+s12+$0x0] =	vst.idx.msk vm7, v10  }
0x67: {  	s17 =	sadd.s32 $0x7D0, s17;
	[tilespmem:v8+s13+$0x0] =	vst.idx.msk vm7, v9  }
0x68: {  	[hbm4b:s6+s14] =	stream.strided.scatter [tilespmem:s12], [sflag:$0x1], $0xD000, s15, s14, $0x38;
	[tilespmem:$0x1B000] =	vst v63  }
0x69: {  	s4 =	sadd.s32 $0x1, s4;
	_ =	swait.ge [sflag:s10], $0xD000  }
0x6a: {  	p0 =	sne.s32 s4, s8;
	[sflag:s10] =	ssyncset.done $0x0  }
.Ltmp3:
0x6b: {  	[sflag:s10] =	ssyncadd.s32 $0xFFFF3000;
	(pc) =	sbr.rel @p0 .LBB2_1-.Ltmp3, $4  }
0x6c: {  	[hbm4b:s7+s14] =	stream.strided.scatter [tilespmem:s13], [sflag:$0x1], $0xD000, s15, s14, $0x38;
	[tilespmem:$0x1B000] =	vst v63  }
0x6d: {  	_ =	swait.ge [sflag:s10], $0xD000  }
0x6e: {  	[sflag:s10] =	ssyncset.done $0x0  }
0x6f: {  	[sflag:s10] =	ssyncadd.s32 $0xFFFF3000  }
0x70: {  	_ =	sfence.sel $0x180000  }
0x71: {  	[bflag:$0x0] =	sbarrier.arrive $0xFFFF  }
0x72: {  	p0 =	sne.s32 s2, $0x0;
	_ =	strace $0x90000047  }
0x73: {  	s0 =	sadd.s32 @!p0 $0x100000, s3;
	[bflag:$0x2] =	sbarrier.arrive $0xFFFF  }
0x74: {  	[sflag:s0] =	ssyncadd.tile.s32 @!p0 $0x1;
	_ =	shalt  }
.Lfunc_end2:
_tile_overlayer_lowered:
.L_overlay_start_2:
0x75: {  	(tag) =	ssettag $0x2  }
0x76: {  	s0 =	rddreg [dreg:$0x0];
	s2 =	stileid.u32  }
0x77: {  	s1 =	rddreg [dreg:$0x1];
	p0 =	sne.s32 s2, $0x0  }
0x78: {  	s3 =	rddreg [dreg:$0x2];
	[bflag:$0x3] =	sbarrier.arrive $0xFFFF;
	s2 =	simm.s32 @!p0 $0x1C01  }
0x79: {  	[timem:s3], [sflag:s2] =	dma.local @!p0 [hbm:s0], s1  }
0x7a: {  	s0 =	simm.s32 @!p0 $0x1  }
0x7b: {  	_ =	swait.ge @!p0 [sflag:s0], s1  }
0x7c: {  	s1 =	ssub.s32 @!p0 $0x0, s1;
	[sflag:s0] =	ssyncset.done @!p0 $0x0  }
0x7d: {  	[sflag:s0] =	ssyncadd.s32 @!p0 s1  }
0x7e: {  	[bflag:$0x3] =	sbarrier.arrive $0xFFFF  }
0x7f: {  	_ =	shalt  }

</sc_bundles>
